<compile_context>
chip_gen: v7x
topology: tpu7x:2x2x1
jax: 0.10.2.dev20260603
libtpu: 0.0.44.dev20260713+nightly
codegen_flags: <defaults>
</compile_context>

<pallas_src>
import functools

import jax
import jax.numpy as jnp
from jax import lax
from jax.experimental import pallas as pl
from jax.experimental.pallas import tpu as pltpu
from jax.experimental.pallas import tpu_sc as plsc

_VOCAB = 1000000
_EMB = 64
_PAD = 128
_BATCH = 16384
_HIST = 200
_B = _BATCH * _HIST
_NW = 32
_BPW = _B // _NW
_CHUNK = 200
_NCHUNK = _BPW // _CHUNK
_GBUF = 4


def _make_lookup():
    mesh = plsc.VectorSubcoreMesh(core_axis_name="c", subcore_axis_name="s")

    @functools.partial(
        pl.kernel,
        mesh=mesh,
        out_type=jax.ShapeDtypeStruct((_BATCH, _HIST, _PAD), jnp.float32),
        scratch_types=(
            [pltpu.VMEM((_CHUNK,), jnp.int32) for _ in range(_GBUF)]
            + [pltpu.VMEM((_CHUNK, _PAD), jnp.float32) for _ in range(_GBUF)]
            + [pltpu.SemaphoreType.DMA for _ in range(3 * _GBUF)]
        ),
        compiler_params=pltpu.CompilerParams(use_tc_tiling_on_sc=True),
    )
    def lookup(idx_hbm, table_hbm, out_hbm, *bufs):
        idx_v = bufs[:_GBUF]
        rows_v = bufs[_GBUF:2 * _GBUF]
        sem_i = bufs[2 * _GBUF:3 * _GBUF]
        sem_g = bufs[3 * _GBUF:4 * _GBUF]
        sem_s = bufs[4 * _GBUF:5 * _GBUF]
        wid = lax.axis_index("s") * 2 + lax.axis_index("c")
        base = wid * _BPW

        def idx_src(g):
            return idx_hbm.at[pl.ds(base + g * _CHUNK, _CHUNK)]

        def out_dst(g):
            return out_hbm.at[(base + g * _CHUNK) // _HIST]

        for s in range(_GBUF):
            pltpu.async_copy(idx_src(s), idx_v[s], sem_i[s])
        for s in range(2):
            pltpu.make_async_copy(idx_src(s), idx_v[s], sem_i[s]).wait()
            pltpu.async_copy(table_hbm.at[idx_v[s]], rows_v[s], sem_g[s])

        def body(g0, carry):
            for k in range(_GBUF):
                g = g0 * _GBUF + k
                pltpu.make_async_copy(table_hbm.at[idx_v[k]],
                                      rows_v[k], sem_g[k]).wait()
                pltpu.async_copy(rows_v[k], out_dst(g), sem_s[k])
                @pl.when(g + _GBUF < _NCHUNK)
                def _():
                    pltpu.async_copy(idx_src(g + _GBUF), idx_v[k], sem_i[k])
                kg = (k + 2) % _GBUF
                @pl.when(g + 2 < _NCHUNK)
                def _():
                    @pl.when(g >= 2)
                    def _():
                        pltpu.make_async_copy(rows_v[kg], out_dst(0),
                                              sem_s[kg]).wait()
                    pltpu.make_async_copy(idx_src(g + 2), idx_v[kg],
                                          sem_i[kg]).wait()
                    pltpu.async_copy(table_hbm.at[idx_v[kg]],
                                     rows_v[kg], sem_g[kg])
            return carry

        lax.fori_loop(0, _NCHUNK // _GBUF, body, 0)

        for k in range(_GBUF):
            pltpu.make_async_copy(rows_v[k], out_dst(0), sem_s[k]).wait()

    return lookup


_lookup = _make_lookup()


@jax.jit
def kernel(indices, table):
    table_p = jnp.pad(table, ((0, 0), (0, _PAD - _EMB)))
    out = _lookup(indices.reshape(_B), table_p)
    return out[:, :, :_EMB]

# --- scband reference (transcript-rebuilt; emitter-appended) ---
"""Pipeline reference for scband-model-76802605187100 (READ-ONLY COPY).

The authoritative reference and input builder live on the scoring server;
editing this copy changes nothing except your own understanding.
"""

import jax, jax.numpy as jnp
import numpy as np

VOCAB = 1000000
EMB_DIM = 64
BATCH = 16384
HIST = 200

def setup_inputs(seed: int = 0) -> dict:
    key = jax.random.key(seed)
    k_idx, k_tab = jax.random.split(key)
    indices = jax.random.randint(k_idx, (BATCH, HIST), 0, VOCAB, dtype=jnp.int32)
    # nn.Embedding weight initialized with normal init (init_wt_normal)
    table = jax.random.normal(k_tab, (VOCAB, EMB_DIM), dtype=jnp.float32) * 0.02
    return {"indices": indices, "table": table}

def reference(indices, table):
    # Model.embeds(indices): embedding lookup -> gather rows of the table
    return jnp.take(table, indices, axis=0)

if __name__ == "__main__":
    import jax
    _d = setup_inputs()
    print(jax.jit(kernel)(*tuple(_d.values())))

</pallas_src>

<mosaic_0001>
#map = affine_map<(d0, d1) -> (0)>
#map1 = affine_map<(d0, d1) -> (0, 0)>
#map2 = affine_map<(d0, d1) -> (0, 0, 0)>
module attributes {stable_mosaic.version = 14 : i64} {
  func.func @lookup(%arg0: i32, %arg1: i32, %arg2: memref<3276800xi32, #tpu.memory_space<hbm>>, %arg3: memref<1000000x128xf32, #tpu.memory_space<hbm>>, %arg4: memref<16384x200x128xf32, #tpu.memory_space<hbm>>, %arg5: memref<200xi32, #tpu.memory_space<vmem>>, %arg6: memref<200xi32, #tpu.memory_space<vmem>>, %arg7: memref<200xi32, #tpu.memory_space<vmem>>, %arg8: memref<200xi32, #tpu.memory_space<vmem>>, %arg9: memref<200x128xf32, #tpu.memory_space<vmem>>, %arg10: memref<200x128xf32, #tpu.memory_space<vmem>>, %arg11: memref<200x128xf32, #tpu.memory_space<vmem>>, %arg12: memref<200x128xf32, #tpu.memory_space<vmem>>, %arg13: memref<!tpu.dma_semaphore, #tpu.memory_space<semaphore_mem>>, %arg14: memref<!tpu.dma_semaphore, #tpu.memory_space<semaphore_mem>>, %arg15: memref<!tpu.dma_semaphore, #tpu.memory_space<semaphore_mem>>, %arg16: memref<!tpu.dma_semaphore, #tpu.memory_space<semaphore_mem>>, %arg17: memref<!tpu.dma_semaphore, #tpu.memory_space<semaphore_mem>>, %arg18: memref<!tpu.dma_semaphore, #tpu.memory_space<semaphore_mem>>, %arg19: memref<!tpu.dma_semaphore, #tpu.memory_space<semaphore_mem>>, %arg20: memref<!tpu.dma_semaphore, #tpu.memory_space<semaphore_mem>>, %arg21: memref<!tpu.dma_semaphore, #tpu.memory_space<semaphore_mem>>, %arg22: memref<!tpu.dma_semaphore, #tpu.memory_space<semaphore_mem>>, %arg23: memref<!tpu.dma_semaphore, #tpu.memory_space<semaphore_mem>>, %arg24: memref<!tpu.dma_semaphore, #tpu.memory_space<semaphore_mem>>) attributes {dimension_semantics = [#tpu.dimension_semantics<core_parallel>, #tpu.dimension_semantics<subcore_parallel>], iteration_bounds = array<i64: 2, 16>, scalar_prefetch = 0 : i64, scratch_operands = 20 : i64, tpu.core_type = #tpu.core_type<sc_vector_subcore>, window_params = [{transform_indices = #map}, {transform_indices = #map1}, {transform_indices = #map2}]} {
    %mul3A = arith.constant 2 : i32
    %mul3A_0 = arith.muli %arg1, %mul3A : i32
    %add3A = arith.addi %mul3A_0, %arg0 : i32
    %mul3A_1 = arith.constant 102400 : i32
    %mul3A_2 = arith.muli %add3A, %mul3A_1 : i32
    %add3A_3 = arith.constant 0 : i32
    %add3A_4 = arith.addi %mul3A_2, %add3A_3 : i32
    %dma_start3A = tpu.memref_slice %arg2[%add3A_4] : memref<3276800xi32, #tpu.memory_space<hbm>> -> memref<200xi32, #tpu.memory_space<hbm>>
    %dma_start3A_5 = tpu.memref_slice %arg2[%add3A_4] : memref<3276800xi32, #tpu.memory_space<hbm>> -> memref<200xi32, #tpu.memory_space<hbm>>
    tpu.enqueue_dma source(%dma_start3A_5 : memref<200xi32, #tpu.memory_space<hbm>>) target(%arg5 : memref<200xi32, #tpu.memory_space<vmem>>) target_semaphore(%arg13 : memref<!tpu.dma_semaphore, #tpu.memory_space<semaphore_mem>>)
    %add3A_6 = arith.constant 200 : i32
    %add3A_7 = arith.addi %mul3A_2, %add3A_6 : i32
    %dma_start3A_8 = tpu.memref_slice %arg2[%add3A_7] : memref<3276800xi32, #tpu.memory_space<hbm>> -> memref<200xi32, #tpu.memory_space<hbm>>
    %dma_start3A_9 = tpu.memref_slice %arg2[%add3A_7] : memref<3276800xi32, #tpu.memory_space<hbm>> -> memref<200xi32, #tpu.memory_space<hbm>>
    tpu.enqueue_dma source(%dma_start3A_9 : memref<200xi32, #tpu.memory_space<hbm>>) target(%arg6 : memref<200xi32, #tpu.memory_space<vmem>>) target_semaphore(%arg14 : memref<!tpu.dma_semaphore, #tpu.memory_space<semaphore_mem>>)
    %add3A_10 = arith.constant 400 : i32
    %add3A_11 = arith.addi %mul3A_2, %add3A_10 : i32
    %dma_start3A_12 = tpu.memref_slice %arg2[%add3A_11] : memref<3276800xi32, #tpu.memory_space<hbm>> -> memref<200xi32, #tpu.memory_space<hbm>>
    %dma_start3A_13 = tpu.memref_slice %arg2[%add3A_11] : memref<3276800xi32, #tpu.memory_space<hbm>> -> memref<200xi32, #tpu.memory_space<hbm>>
    tpu.enqueue_dma source(%dma_start3A_13 : memref<200xi32, #tpu.memory_space<hbm>>) target(%arg7 : memref<200xi32, #tpu.memory_space<vmem>>) target_semaphore(%arg15 : memref<!tpu.dma_semaphore, #tpu.memory_space<semaphore_mem>>)
    %add3A_14 = arith.constant 600 : i32
    %add3A_15 = arith.addi %mul3A_2, %add3A_14 : i32
    %dma_start3A_16 = tpu.memref_slice %arg2[%add3A_15] : memref<3276800xi32, #tpu.memory_space<hbm>> -> memref<200xi32, #tpu.memory_space<hbm>>
    %dma_start3A_17 = tpu.memref_slice %arg2[%add3A_15] : memref<3276800xi32, #tpu.memory_space<hbm>> -> memref<200xi32, #tpu.memory_space<hbm>>
    tpu.enqueue_dma source(%dma_start3A_17 : memref<200xi32, #tpu.memory_space<hbm>>) target(%arg8 : memref<200xi32, #tpu.memory_space<vmem>>) target_semaphore(%arg16 : memref<!tpu.dma_semaphore, #tpu.memory_space<semaphore_mem>>)
    %add3A_18 = arith.constant 0 : i32
    %add3A_19 = arith.addi %mul3A_2, %add3A_18 : i32
    %dma_wait3A = tpu.memref_slice %arg2[%add3A_19] : memref<3276800xi32, #tpu.memory_space<hbm>> -> memref<200xi32, #tpu.memory_space<hbm>>
    %dma_wait3A_20 = tpu.memref_slice %arg2[%add3A_19] : memref<3276800xi32, #tpu.memory_space<hbm>> -> memref<200xi32, #tpu.memory_space<hbm>>
    tpu.wait_dma2 semaphore(%arg13 : memref<!tpu.dma_semaphore, #tpu.memory_space<semaphore_mem>>) src(%dma_wait3A_20 : memref<200xi32, #tpu.memory_space<hbm>>) dst(%arg5 : memref<200xi32, #tpu.memory_space<vmem>>)
    %dma_start3A_21 = arith.constant 0 : i32
    %dma_start3A_22 = arith.constant 0 : i32
    %dma_start3A_23 = tpu.memref_slice %arg3[%dma_start3A_21, %dma_start3A_22] : memref<1000000x128xf32, #tpu.memory_space<hbm>> -> memref<1000000x128xf32, #tpu.memory_space<hbm>>
    tpu.enqueue_indirect_dma source(%dma_start3A_23 : memref<1000000x128xf32, #tpu.memory_space<hbm>>) target(%arg9 : memref<200x128xf32, #tpu.memory_space<vmem>>) offsets(%arg5 : memref<200xi32, #tpu.memory_space<vmem>>) semaphore(%arg17 : memref<!tpu.dma_semaphore, #tpu.memory_space<semaphore_mem>>)
    %add3A_24 = arith.constant 200 : i32
    %add3A_25 = arith.addi %mul3A_2, %add3A_24 : i32
    %dma_wait3A_26 = tpu.memref_slice %arg2[%add3A_25] : memref<3276800xi32, #tpu.memory_space<hbm>> -> memref<200xi32, #tpu.memory_space<hbm>>
    %dma_wait3A_27 = tpu.memref_slice %arg2[%add3A_25] : memref<3276800xi32, #tpu.memory_space<hbm>> -> memref<200xi32, #tpu.memory_space<hbm>>
    tpu.wait_dma2 semaphore(%arg14 : memref<!tpu.dma_semaphore, #tpu.memory_space<semaphore_mem>>) src(%dma_wait3A_27 : memref<200xi32, #tpu.memory_space<hbm>>) dst(%arg6 : memref<200xi32, #tpu.memory_space<vmem>>)
    %dma_start3A_28 = arith.constant 0 : i32
    %dma_start3A_29 = arith.constant 0 : i32
    %dma_start3A_30 = tpu.memref_slice %arg3[%dma_start3A_28, %dma_start3A_29] : memref<1000000x128xf32, #tpu.memory_space<hbm>> -> memref<1000000x128xf32, #tpu.memory_space<hbm>>
    tpu.enqueue_indirect_dma source(%dma_start3A_30 : memref<1000000x128xf32, #tpu.memory_space<hbm>>) target(%arg10 : memref<200x128xf32, #tpu.memory_space<vmem>>) offsets(%arg6 : memref<200xi32, #tpu.memory_space<vmem>>) semaphore(%arg18 : memref<!tpu.dma_semaphore, #tpu.memory_space<semaphore_mem>>)
    %scan3A = arith.constant 0 : i32
    %scan3A_31 = arith.constant 0 : i32
    %scan3A_32 = arith.constant 128 : i32
    %scan3A_33 = arith.addi %scan3A_31, %scan3A_32 : i32
    %scan3A_34 = arith.constant 1 : i32
    scf.for %scan3A_164 = %scan3A_31 to %scan3A_33 step %scan3A_34  : i32 {
      %mul3A_165 = arith.constant 4 : i32
      %mul3A_166 = arith.muli %scan3A_164, %mul3A_165 : i32
      %add3A_167 = arith.constant 0 : i32
      %add3A_168 = arith.addi %mul3A_166, %add3A_167 : i32
      %dma_wait3A_169 = arith.constant 0 : i32
      %dma_wait3A_170 = arith.constant 0 : i32
      %dma_wait3A_171 = tpu.memref_slice %arg3[%dma_wait3A_169, %dma_wait3A_170] : memref<1000000x128xf32, #tpu.memory_space<hbm>> -> memref<1000000x128xf32, #tpu.memory_space<hbm>>
      tpu.wait_indirect_dma semaphore(%arg17 : memref<!tpu.dma_semaphore, #tpu.memory_space<semaphore_mem>>) src(%dma_wait3A_171 : memref<1000000x128xf32, #tpu.memory_space<hbm>>) dst(%arg9 : memref<200x128xf32, #tpu.memory_space<vmem>>)
      %mul3A_172 = arith.constant 200 : i32
      %mul3A_173 = arith.muli %add3A_168, %mul3A_172 : i32
      %add3A_174 = arith.addi %mul3A_2, %mul3A_173 : i32
      %jit3A_175 = arith.constant 200 : i32
      %div3A_176 = arith.divsi %add3A_174, %jit3A_175 : i32
      %sign3A_177 = arith.constant 0 : i32
      %sign3A_178 = arith.cmpi sgt, %add3A_174, %sign3A_177 : i32
      %sign3A_179 = arith.extui %sign3A_178 : i1 to i32
      %sign3A_180 = arith.constant 0 : i32
      %sign3A_181 = arith.cmpi slt, %add3A_174, %sign3A_180 : i32
      %sign3A_182 = arith.extui %sign3A_181 : i1 to i32
      %sign3A_183 = arith.subi %sign3A_179, %sign3A_182 : i32
      %sign3A_184 = arith.constant 0 : i32
      %sign3A_185 = arith.cmpi sgt, %jit3A_175, %sign3A_184 : i32
      %sign3A_186 = arith.extui %sign3A_185 : i1 to i32
      %sign3A_187 = arith.constant 0 : i32
      %sign3A_188 = arith.cmpi slt, %jit3A_175, %sign3A_187 : i32
      %sign3A_189 = arith.extui %sign3A_188 : i1 to i32
      %sign3A_190 = arith.subi %sign3A_186, %sign3A_189 : i32
      %ne3A_191 = arith.cmpi ne, %sign3A_183, %sign3A_190 : i32
      %rem3A_192 = arith.remsi %add3A_174, %jit3A_175 : i32
      %ne3A_193 = arith.constant 0 : i32
      %ne3A_194 = arith.cmpi ne, %rem3A_192, %ne3A_193 : i32
      %and3A_195 = arith.andi %ne3A_191, %ne3A_194 : i1
      %sub3A_196 = arith.constant 1 : i32
      %sub3A_197 = arith.subi %div3A_176, %sub3A_196 : i32
      %select_n3A_198 = arith.select %and3A_195, %sub3A_197, %div3A_176 : i32
      %dma_start3A_199 = arith.constant 0 : i32
      %dma_start3A_200 = arith.constant 0 : i32
      %dma_start3A_201 = tpu.memref_slice %arg4[%select_n3A_198, %dma_start3A_199, %dma_start3A_200] : memref<16384x200x128xf32, #tpu.memory_space<hbm>> -> memref<1x200x128xf32, #tpu.memory_space<hbm>>
      %dma_start3A_202 = tpu.memref_squeeze %dma_start3A_201 : memref<1x200x128xf32, #tpu.memory_space<hbm>> -> memref<200x128xf32, #tpu.memory_space<hbm>>
      %dma_start3A_203 = arith.constant 0 : i32
      %dma_start3A_204 = arith.constant 0 : i32
      %dma_start3A_205 = tpu.memref_slice %arg4[%select_n3A_198, %dma_start3A_203, %dma_start3A_204] : memref<16384x200x128xf32, #tpu.memory_space<hbm>> -> memref<1x200x128xf32, #tpu.memory_space<hbm>>
      %dma_start3A_206 = tpu.memref_squeeze %dma_start3A_205 : memref<1x200x128xf32, #tpu.memory_space<hbm>> -> memref<200x128xf32, #tpu.memory_space<hbm>>
      tpu.enqueue_dma source(%arg9 : memref<200x128xf32, #tpu.memory_space<vmem>>) target(%dma_start3A_206 : memref<200x128xf32, #tpu.memory_space<hbm>>) target_semaphore(%arg21 : memref<!tpu.dma_semaphore, #tpu.memory_space<semaphore_mem>>)
      %add3A_207 = arith.constant 4 : i32
      %add3A_208 = arith.addi %add3A_168, %add3A_207 : i32
      %lt3A = arith.constant 512 : i32
      %lt3A_209 = arith.cmpi slt, %add3A_208, %lt3A : i32
      %convert_element_type3A = arith.extui %lt3A_209 : i1 to i32
      %cond3A = arith.constant 0 : i32
      %cond3A_210 = arith.cmpi ne, %convert_element_type3A, %cond3A : i32
      scf.if %cond3A_210 {
        %add3A_386 = arith.constant 4 : i32
        %add3A_387 = arith.addi %add3A_168, %add3A_386 : i32
        %mul3A_388 = arith.constant 200 : i32
        %mul3A_389 = arith.muli %add3A_387, %mul3A_388 : i32
        %add3A_390 = arith.addi %mul3A_2, %mul3A_389 : i32
        %dma_start3A_391 = tpu.memref_slice %arg2[%add3A_390] : memref<3276800xi32, #tpu.memory_space<hbm>> -> memref<200xi32, #tpu.memory_space<hbm>>
        %dma_start3A_392 = tpu.memref_slice %arg2[%add3A_390] : memref<3276800xi32, #tpu.memory_space<hbm>> -> memref<200xi32, #tpu.memory_space<hbm>>
        tpu.enqueue_dma source(%dma_start3A_392 : memref<200xi32, #tpu.memory_space<hbm>>) target(%arg5 : memref<200xi32, #tpu.memory_space<vmem>>) target_semaphore(%arg13 : memref<!tpu.dma_semaphore, #tpu.memory_space<semaphore_mem>>)
      } else {
      }
      %add3A_211 = arith.constant 2 : i32
      %add3A_212 = arith.addi %add3A_168, %add3A_211 : i32
      %lt3A_213 = arith.constant 512 : i32
      %lt3A_214 = arith.cmpi slt, %add3A_212, %lt3A_213 : i32
      %convert_element_type3A_215 = arith.extui %lt3A_214 : i1 to i32
      %cond3A_216 = arith.constant 0 : i32
      %cond3A_217 = arith.cmpi ne, %convert_element_type3A_215, %cond3A_216 : i32
      scf.if %cond3A_217 {
        %ge3A = arith.constant 2 : i32
        %ge3A_386 = arith.cmpi sge, %add3A_168, %ge3A : i32
        %convert_element_type3A_387 = arith.extui %ge3A_386 : i1 to i32
        %cond3A_388 = arith.constant 0 : i32
        %cond3A_389 = arith.cmpi ne, %convert_element_type3A_387, %cond3A_388 : i32
        scf.if %cond3A_389 {
          %add3A_400 = arith.constant 0 : i32
          %add3A_401 = arith.addi %mul3A_2, %add3A_400 : i32
          %jit3A_402 = arith.constant 200 : i32
          %div3A_403 = arith.divsi %add3A_401, %jit3A_402 : i32
          %sign3A_404 = arith.constant 0 : i32
          %sign3A_405 = arith.cmpi sgt, %add3A_401, %sign3A_404 : i32
          %sign3A_406 = arith.extui %sign3A_405 : i1 to i32
          %sign3A_407 = arith.constant 0 : i32
          %sign3A_408 = arith.cmpi slt, %add3A_401, %sign3A_407 : i32
          %sign3A_409 = arith.extui %sign3A_408 : i1 to i32
          %sign3A_410 = arith.subi %sign3A_406, %sign3A_409 : i32
          %sign3A_411 = arith.constant 0 : i32
          %sign3A_412 = arith.cmpi sgt, %jit3A_402, %sign3A_411 : i32
          %sign3A_413 = arith.extui %sign3A_412 : i1 to i32
          %sign3A_414 = arith.constant 0 : i32
          %sign3A_415 = arith.cmpi slt, %jit3A_402, %sign3A_414 : i32
          %sign3A_416 = arith.extui %sign3A_415 : i1 to i32
          %sign3A_417 = arith.subi %sign3A_413, %sign3A_416 : i32
          %ne3A_418 = arith.cmpi ne, %sign3A_410, %sign3A_417 : i32
          %rem3A_419 = arith.remsi %add3A_401, %jit3A_402 : i32
          %ne3A_420 = arith.constant 0 : i32
          %ne3A_421 = arith.cmpi ne, %rem3A_419, %ne3A_420 : i32
          %and3A_422 = arith.andi %ne3A_418, %ne3A_421 : i1
          %sub3A_423 = arith.constant 1 : i32
          %sub3A_424 = arith.subi %div3A_403, %sub3A_423 : i32
          %select_n3A_425 = arith.select %and3A_422, %sub3A_424, %div3A_403 : i32
          %dma_wait3A_426 = arith.constant 0 : i32
          %dma_wait3A_427 = arith.constant 0 : i32
          %dma_wait3A_428 = tpu.memref_slice %arg4[%select_n3A_425, %dma_wait3A_426, %dma_wait3A_427] : memref<16384x200x128xf32, #tpu.memory_space<hbm>> -> memref<1x200x128xf32, #tpu.memory_space<hbm>>
          %dma_wait3A_429 = tpu.memref_squeeze %dma_wait3A_428 : memref<1x200x128xf32, #tpu.memory_space<hbm>> -> memref<200x128xf32, #tpu.memory_space<hbm>>
          %dma_wait3A_430 = arith.constant 0 : i32
          %dma_wait3A_431 = arith.constant 0 : i32
          %dma_wait3A_432 = tpu.memref_slice %arg4[%select_n3A_425, %dma_wait3A_430, %dma_wait3A_431] : memref<16384x200x128xf32, #tpu.memory_space<hbm>> -> memref<1x200x128xf32, #tpu.memory_space<hbm>>
          %dma_wait3A_433 = tpu.memref_squeeze %dma_wait3A_432 : memref<1x200x128xf32, #tpu.memory_space<hbm>> -> memref<200x128xf32, #tpu.memory_space<hbm>>
          tpu.wait_dma2 semaphore(%arg23 : memref<!tpu.dma_semaphore, #tpu.memory_space<semaphore_mem>>) src(%arg11 : memref<200x128xf32, #tpu.memory_space<vmem>>) dst(%dma_wait3A_433 : memref<200x128xf32, #tpu.memory_space<hbm>>)
        } else {
        }
        %add3A_390 = arith.constant 2 : i32
        %add3A_391 = arith.addi %add3A_168, %add3A_390 : i32
        %mul3A_392 = arith.constant 200 : i32
        %mul3A_393 = arith.muli %add3A_391, %mul3A_392 : i32
        %add3A_394 = arith.addi %mul3A_2, %mul3A_393 : i32
        %dma_wait3A_395 = tpu.memref_slice %arg2[%add3A_394] : memref<3276800xi32, #tpu.memory_space<hbm>> -> memref<200xi32, #tpu.memory_space<hbm>>
        %dma_wait3A_396 = tpu.memref_slice %arg2[%add3A_394] : memref<3276800xi32, #tpu.memory_space<hbm>> -> memref<200xi32, #tpu.memory_space<hbm>>
        tpu.wait_dma2 semaphore(%arg15 : memref<!tpu.dma_semaphore, #tpu.memory_space<semaphore_mem>>) src(%dma_wait3A_396 : memref<200xi32, #tpu.memory_space<hbm>>) dst(%arg7 : memref<200xi32, #tpu.memory_space<vmem>>)
        %dma_start3A_397 = arith.constant 0 : i32
        %dma_start3A_398 = arith.constant 0 : i32
        %dma_start3A_399 = tpu.memref_slice %arg3[%dma_start3A_397, %dma_start3A_398] : memref<1000000x128xf32, #tpu.memory_space<hbm>> -> memref<1000000x128xf32, #tpu.memory_space<hbm>>
        tpu.enqueue_indirect_dma source(%dma_start3A_399 : memref<1000000x128xf32, #tpu.memory_space<hbm>>) target(%arg11 : memref<200x128xf32, #tpu.memory_space<vmem>>) offsets(%arg7 : memref<200xi32, #tpu.memory_space<vmem>>) semaphore(%arg19 : memref<!tpu.dma_semaphore, #tpu.memory_space<semaphore_mem>>)
      } else {
      }
      %mul3A_218 = arith.constant 4 : i32
      %mul3A_219 = arith.muli %scan3A_164, %mul3A_218 : i32
      %add3A_220 = arith.constant 1 : i32
      %add3A_221 = arith.addi %mul3A_219, %add3A_220 : i32
      %dma_wait3A_222 = arith.constant 0 : i32
      %dma_wait3A_223 = arith.constant 0 : i32
      %dma_wait3A_224 = tpu.memref_slice %arg3[%dma_wait3A_222, %dma_wait3A_223] : memref<1000000x128xf32, #tpu.memory_space<hbm>> -> memref<1000000x128xf32, #tpu.memory_space<hbm>>
      tpu.wait_indirect_dma semaphore(%arg18 : memref<!tpu.dma_semaphore, #tpu.memory_space<semaphore_mem>>) src(%dma_wait3A_224 : memref<1000000x128xf32, #tpu.memory_space<hbm>>) dst(%arg10 : memref<200x128xf32, #tpu.memory_space<vmem>>)
      %mul3A_225 = arith.constant 200 : i32
      %mul3A_226 = arith.muli %add3A_221, %mul3A_225 : i32
      %add3A_227 = arith.addi %mul3A_2, %mul3A_226 : i32
      %jit3A_228 = arith.constant 200 : i32
      %div3A_229 = arith.divsi %add3A_227, %jit3A_228 : i32
      %sign3A_230 = arith.constant 0 : i32
      %sign3A_231 = arith.cmpi sgt, %add3A_227, %sign3A_230 : i32
      %sign3A_232 = arith.extui %sign3A_231 : i1 to i32
      %sign3A_233 = arith.constant 0 : i32
      %sign3A_234 = arith.cmpi slt, %add3A_227, %sign3A_233 : i32
      %sign3A_235 = arith.extui %sign3A_234 : i1 to i32
      %sign3A_236 = arith.subi %sign3A_232, %sign3A_235 : i32
      %sign3A_237 = arith.constant 0 : i32
      %sign3A_238 = arith.cmpi sgt, %jit3A_228, %sign3A_237 : i32
      %sign3A_239 = arith.extui %sign3A_238 : i1 to i32
      %sign3A_240 = arith.constant 0 : i32
      %sign3A_241 = arith.cmpi slt, %jit3A_228, %sign3A_240 : i32
      %sign3A_242 = arith.extui %sign3A_241 : i1 to i32
      %sign3A_243 = arith.subi %sign3A_239, %sign3A_242 : i32
      %ne3A_244 = arith.cmpi ne, %sign3A_236, %sign3A_243 : i32
      %rem3A_245 = arith.remsi %add3A_227, %jit3A_228 : i32
      %ne3A_246 = arith.constant 0 : i32
      %ne3A_247 = arith.cmpi ne, %rem3A_245, %ne3A_246 : i32
      %and3A_248 = arith.andi %ne3A_244, %ne3A_247 : i1
      %sub3A_249 = arith.constant 1 : i32
      %sub3A_250 = arith.subi %div3A_229, %sub3A_249 : i32
      %select_n3A_251 = arith.select %and3A_248, %sub3A_250, %div3A_229 : i32
      %dma_start3A_252 = arith.constant 0 : i32
      %dma_start3A_253 = arith.constant 0 : i32
      %dma_start3A_254 = tpu.memref_slice %arg4[%select_n3A_251, %dma_start3A_252, %dma_start3A_253] : memref<16384x200x128xf32, #tpu.memory_space<hbm>> -> memref<1x200x128xf32, #tpu.memory_space<hbm>>
      %dma_start3A_255 = tpu.memref_squeeze %dma_start3A_254 : memref<1x200x128xf32, #tpu.memory_space<hbm>> -> memref<200x128xf32, #tpu.memory_space<hbm>>
      %dma_start3A_256 = arith.constant 0 : i32
      %dma_start3A_257 = arith.constant 0 : i32
      %dma_start3A_258 = tpu.memref_slice %arg4[%select_n3A_251, %dma_start3A_256, %dma_start3A_257] : memref<16384x200x128xf32, #tpu.memory_space<hbm>> -> memref<1x200x128xf32, #tpu.memory_space<hbm>>
      %dma_start3A_259 = tpu.memref_squeeze %dma_start3A_258 : memref<1x200x128xf32, #tpu.memory_space<hbm>> -> memref<200x128xf32, #tpu.memory_space<hbm>>
      tpu.enqueue_dma source(%arg10 : memref<200x128xf32, #tpu.memory_space<vmem>>) target(%dma_start3A_259 : memref<200x128xf32, #tpu.memory_space<hbm>>) target_semaphore(%arg22 : memref<!tpu.dma_semaphore, #tpu.memory_space<semaphore_mem>>)
      %add3A_260 = arith.constant 4 : i32
      %add3A_261 = arith.addi %add3A_221, %add3A_260 : i32
      %lt3A_262 = arith.constant 512 : i32
      %lt3A_263 = arith.cmpi slt, %add3A_261, %lt3A_262 : i32
      %convert_element_type3A_264 = arith.extui %lt3A_263 : i1 to i32
      %cond3A_265 = arith.constant 0 : i32
      %cond3A_266 = arith.cmpi ne, %convert_element_type3A_264, %cond3A_265 : i32
      scf.if %cond3A_266 {
        %add3A_386 = arith.constant 4 : i32
        %add3A_387 = arith.addi %add3A_221, %add3A_386 : i32
        %mul3A_388 = arith.constant 200 : i32
        %mul3A_389 = arith.muli %add3A_387, %mul3A_388 : i32
        %add3A_390 = arith.addi %mul3A_2, %mul3A_389 : i32
        %dma_start3A_391 = tpu.memref_slice %arg2[%add3A_390] : memref<3276800xi32, #tpu.memory_space<hbm>> -> memref<200xi32, #tpu.memory_space<hbm>>
        %dma_start3A_392 = tpu.memref_slice %arg2[%add3A_390] : memref<3276800xi32, #tpu.memory_space<hbm>> -> memref<200xi32, #tpu.memory_space<hbm>>
        tpu.enqueue_dma source(%dma_start3A_392 : memref<200xi32, #tpu.memory_space<hbm>>) target(%arg6 : memref<200xi32, #tpu.memory_space<vmem>>) target_semaphore(%arg14 : memref<!tpu.dma_semaphore, #tpu.memory_space<semaphore_mem>>)
      } else {
      }
      %add3A_267 = arith.constant 2 : i32
      %add3A_268 = arith.addi %add3A_221, %add3A_267 : i32
      %lt3A_269 = arith.constant 512 : i32
      %lt3A_270 = arith.cmpi slt, %add3A_268, %lt3A_269 : i32
      %convert_element_type3A_271 = arith.extui %lt3A_270 : i1 to i32
      %cond3A_272 = arith.constant 0 : i32
      %cond3A_273 = arith.cmpi ne, %convert_element_type3A_271, %cond3A_272 : i32
      scf.if %cond3A_273 {
        %ge3A = arith.constant 2 : i32
        %ge3A_386 = arith.cmpi sge, %add3A_221, %ge3A : i32
        %convert_element_type3A_387 = arith.extui %ge3A_386 : i1 to i32
        %cond3A_388 = arith.constant 0 : i32
        %cond3A_389 = arith.cmpi ne, %convert_element_type3A_387, %cond3A_388 : i32
        scf.if %cond3A_389 {
          %add3A_400 = arith.constant 0 : i32
          %add3A_401 = arith.addi %mul3A_2, %add3A_400 : i32
          %jit3A_402 = arith.constant 200 : i32
          %div3A_403 = arith.divsi %add3A_401, %jit3A_402 : i32
          %sign3A_404 = arith.constant 0 : i32
          %sign3A_405 = arith.cmpi sgt, %add3A_401, %sign3A_404 : i32
          %sign3A_406 = arith.extui %sign3A_405 : i1 to i32
          %sign3A_407 = arith.constant 0 : i32
          %sign3A_408 = arith.cmpi slt, %add3A_401, %sign3A_407 : i32
          %sign3A_409 = arith.extui %sign3A_408 : i1 to i32
          %sign3A_410 = arith.subi %sign3A_406, %sign3A_409 : i32
          %sign3A_411 = arith.constant 0 : i32
          %sign3A_412 = arith.cmpi sgt, %jit3A_402, %sign3A_411 : i32
          %sign3A_413 = arith.extui %sign3A_412 : i1 to i32
          %sign3A_414 = arith.constant 0 : i32
          %sign3A_415 = arith.cmpi slt, %jit3A_402, %sign3A_414 : i32
          %sign3A_416 = arith.extui %sign3A_415 : i1 to i32
          %sign3A_417 = arith.subi %sign3A_413, %sign3A_416 : i32
          %ne3A_418 = arith.cmpi ne, %sign3A_410, %sign3A_417 : i32
          %rem3A_419 = arith.remsi %add3A_401, %jit3A_402 : i32
          %ne3A_420 = arith.constant 0 : i32
          %ne3A_421 = arith.cmpi ne, %rem3A_419, %ne3A_420 : i32
          %and3A_422 = arith.andi %ne3A_418, %ne3A_421 : i1
          %sub3A_423 = arith.constant 1 : i32
          %sub3A_424 = arith.subi %div3A_403, %sub3A_423 : i32
          %select_n3A_425 = arith.select %and3A_422, %sub3A_424, %div3A_403 : i32
          %dma_wait3A_426 = arith.constant 0 : i32
          %dma_wait3A_427 = arith.constant 0 : i32
          %dma_wait3A_428 = tpu.memref_slice %arg4[%select_n3A_425, %dma_wait3A_426, %dma_wait3A_427] : memref<16384x200x128xf32, #tpu.memory_space<hbm>> -> memref<1x200x128xf32, #tpu.memory_space<hbm>>
          %dma_wait3A_429 = tpu.memref_squeeze %dma_wait3A_428 : memref<1x200x128xf32, #tpu.memory_space<hbm>> -> memref<200x128xf32, #tpu.memory_space<hbm>>
          %dma_wait3A_430 = arith.constant 0 : i32
          %dma_wait3A_431 = arith.constant 0 : i32
          %dma_wait3A_432 = tpu.memref_slice %arg4[%select_n3A_425, %dma_wait3A_430, %dma_wait3A_431] : memref<16384x200x128xf32, #tpu.memory_space<hbm>> -> memref<1x200x128xf32, #tpu.memory_space<hbm>>
          %dma_wait3A_433 = tpu.memref_squeeze %dma_wait3A_432 : memref<1x200x128xf32, #tpu.memory_space<hbm>> -> memref<200x128xf32, #tpu.memory_space<hbm>>
          tpu.wait_dma2 semaphore(%arg24 : memref<!tpu.dma_semaphore, #tpu.memory_space<semaphore_mem>>) src(%arg12 : memref<200x128xf32, #tpu.memory_space<vmem>>) dst(%dma_wait3A_433 : memref<200x128xf32, #tpu.memory_space<hbm>>)
        } else {
        }
        %add3A_390 = arith.constant 2 : i32
        %add3A_391 = arith.addi %add3A_221, %add3A_390 : i32
        %mul3A_392 = arith.constant 200 : i32
        %mul3A_393 = arith.muli %add3A_391, %mul3A_392 : i32
        %add3A_394 = arith.addi %mul3A_2, %mul3A_393 : i32
        %dma_wait3A_395 = tpu.memref_slice %arg2[%add3A_394] : memref<3276800xi32, #tpu.memory_space<hbm>> -> memref<200xi32, #tpu.memory_space<hbm>>
        %dma_wait3A_396 = tpu.memref_slice %arg2[%add3A_394] : memref<3276800xi32, #tpu.memory_space<hbm>> -> memref<200xi32, #tpu.memory_space<hbm>>
        tpu.wait_dma2 semaphore(%arg16 : memref<!tpu.dma_semaphore, #tpu.memory_space<semaphore_mem>>) src(%dma_wait3A_396 : memref<200xi32, #tpu.memory_space<hbm>>) dst(%arg8 : memref<200xi32, #tpu.memory_space<vmem>>)
        %dma_start3A_397 = arith.constant 0 : i32
        %dma_start3A_398 = arith.constant 0 : i32
        %dma_start3A_399 = tpu.memref_slice %arg3[%dma_start3A_397, %dma_start3A_398] : memref<1000000x128xf32, #tpu.memory_space<hbm>> -> memref<1000000x128xf32, #tpu.memory_space<hbm>>
        tpu.enqueue_indirect_dma source(%dma_start3A_399 : memref<1000000x128xf32, #tpu.memory_space<hbm>>) target(%arg12 : memref<200x128xf32, #tpu.memory_space<vmem>>) offsets(%arg8 : memref<200xi32, #tpu.memory_space<vmem>>) semaphore(%arg20 : memref<!tpu.dma_semaphore, #tpu.memory_space<semaphore_mem>>)
      } else {
      }
      %mul3A_274 = arith.constant 4 : i32
      %mul3A_275 = arith.muli %scan3A_164, %mul3A_274 : i32
      %add3A_276 = arith.constant 2 : i32
      %add3A_277 = arith.addi %mul3A_275, %add3A_276 : i32
      %dma_wait3A_278 = arith.constant 0 : i32
      %dma_wait3A_279 = arith.constant 0 : i32
      %dma_wait3A_280 = tpu.memref_slice %arg3[%dma_wait3A_278, %dma_wait3A_279] : memref<1000000x128xf32, #tpu.memory_space<hbm>> -> memref<1000000x128xf32, #tpu.memory_space<hbm>>
      tpu.wait_indirect_dma semaphore(%arg19 : memref<!tpu.dma_semaphore, #tpu.memory_space<semaphore_mem>>) src(%dma_wait3A_280 : memref<1000000x128xf32, #tpu.memory_space<hbm>>) dst(%arg11 : memref<200x128xf32, #tpu.memory_space<vmem>>)
      %mul3A_281 = arith.constant 200 : i32
      %mul3A_282 = arith.muli %add3A_277, %mul3A_281 : i32
      %add3A_283 = arith.addi %mul3A_2, %mul3A_282 : i32
      %jit3A_284 = arith.constant 200 : i32
      %div3A_285 = arith.divsi %add3A_283, %jit3A_284 : i32
      %sign3A_286 = arith.constant 0 : i32
      %sign3A_287 = arith.cmpi sgt, %add3A_283, %sign3A_286 : i32
      %sign3A_288 = arith.extui %sign3A_287 : i1 to i32
      %sign3A_289 = arith.constant 0 : i32
      %sign3A_290 = arith.cmpi slt, %add3A_283, %sign3A_289 : i32
      %sign3A_291 = arith.extui %sign3A_290 : i1 to i32
      %sign3A_292 = arith.subi %sign3A_288, %sign3A_291 : i32
      %sign3A_293 = arith.constant 0 : i32
      %sign3A_294 = arith.cmpi sgt, %jit3A_284, %sign3A_293 : i32
      %sign3A_295 = arith.extui %sign3A_294 : i1 to i32
      %sign3A_296 = arith.constant 0 : i32
      %sign3A_297 = arith.cmpi slt, %jit3A_284, %sign3A_296 : i32
      %sign3A_298 = arith.extui %sign3A_297 : i1 to i32
      %sign3A_299 = arith.subi %sign3A_295, %sign3A_298 : i32
      %ne3A_300 = arith.cmpi ne, %sign3A_292, %sign3A_299 : i32
      %rem3A_301 = arith.remsi %add3A_283, %jit3A_284 : i32
      %ne3A_302 = arith.constant 0 : i32
      %ne3A_303 = arith.cmpi ne, %rem3A_301, %ne3A_302 : i32
      %and3A_304 = arith.andi %ne3A_300, %ne3A_303 : i1
      %sub3A_305 = arith.constant 1 : i32
      %sub3A_306 = arith.subi %div3A_285, %sub3A_305 : i32
      %select_n3A_307 = arith.select %and3A_304, %sub3A_306, %div3A_285 : i32
      %dma_start3A_308 = arith.constant 0 : i32
      %dma_start3A_309 = arith.constant 0 : i32
      %dma_start3A_310 = tpu.memref_slice %arg4[%select_n3A_307, %dma_start3A_308, %dma_start3A_309] : memref<16384x200x128xf32, #tpu.memory_space<hbm>> -> memref<1x200x128xf32, #tpu.memory_space<hbm>>
      %dma_start3A_311 = tpu.memref_squeeze %dma_start3A_310 : memref<1x200x128xf32, #tpu.memory_space<hbm>> -> memref<200x128xf32, #tpu.memory_space<hbm>>
      %dma_start3A_312 = arith.constant 0 : i32
      %dma_start3A_313 = arith.constant 0 : i32
      %dma_start3A_314 = tpu.memref_slice %arg4[%select_n3A_307, %dma_start3A_312, %dma_start3A_313] : memref<16384x200x128xf32, #tpu.memory_space<hbm>> -> memref<1x200x128xf32, #tpu.memory_space<hbm>>
      %dma_start3A_315 = tpu.memref_squeeze %dma_start3A_314 : memref<1x200x128xf32, #tpu.memory_space<hbm>> -> memref<200x128xf32, #tpu.memory_space<hbm>>
      tpu.enqueue_dma source(%arg11 : memref<200x128xf32, #tpu.memory_space<vmem>>) target(%dma_start3A_315 : memref<200x128xf32, #tpu.memory_space<hbm>>) target_semaphore(%arg23 : memref<!tpu.dma_semaphore, #tpu.memory_space<semaphore_mem>>)
      %add3A_316 = arith.constant 4 : i32
      %add3A_317 = arith.addi %add3A_277, %add3A_316 : i32
      %lt3A_318 = arith.constant 512 : i32
      %lt3A_319 = arith.cmpi slt, %add3A_317, %lt3A_318 : i32
      %convert_element_type3A_320 = arith.extui %lt3A_319 : i1 to i32
      %cond3A_321 = arith.constant 0 : i32
      %cond3A_322 = arith.cmpi ne, %convert_element_type3A_320, %cond3A_321 : i32
      scf.if %cond3A_322 {
        %add3A_386 = arith.constant 4 : i32
        %add3A_387 = arith.addi %add3A_277, %add3A_386 : i32
        %mul3A_388 = arith.constant 200 : i32
        %mul3A_389 = arith.muli %add3A_387, %mul3A_388 : i32
        %add3A_390 = arith.addi %mul3A_2, %mul3A_389 : i32
        %dma_start3A_391 = tpu.memref_slice %arg2[%add3A_390] : memref<3276800xi32, #tpu.memory_space<hbm>> -> memref<200xi32, #tpu.memory_space<hbm>>
        %dma_start3A_392 = tpu.memref_slice %arg2[%add3A_390] : memref<3276800xi32, #tpu.memory_space<hbm>> -> memref<200xi32, #tpu.memory_space<hbm>>
        tpu.enqueue_dma source(%dma_start3A_392 : memref<200xi32, #tpu.memory_space<hbm>>) target(%arg7 : memref<200xi32, #tpu.memory_space<vmem>>) target_semaphore(%arg15 : memref<!tpu.dma_semaphore, #tpu.memory_space<semaphore_mem>>)
      } else {
      }
      %add3A_323 = arith.constant 2 : i32
      %add3A_324 = arith.addi %add3A_277, %add3A_323 : i32
      %lt3A_325 = arith.constant 512 : i32
      %lt3A_326 = arith.cmpi slt, %add3A_324, %lt3A_325 : i32
      %convert_element_type3A_327 = arith.extui %lt3A_326 : i1 to i32
      %cond3A_328 = arith.constant 0 : i32
      %cond3A_329 = arith.cmpi ne, %convert_element_type3A_327, %cond3A_328 : i32
      scf.if %cond3A_329 {
        %ge3A = arith.constant 2 : i32
        %ge3A_386 = arith.cmpi sge, %add3A_277, %ge3A : i32
        %convert_element_type3A_387 = arith.extui %ge3A_386 : i1 to i32
        %cond3A_388 = arith.constant 0 : i32
        %cond3A_389 = arith.cmpi ne, %convert_element_type3A_387, %cond3A_388 : i32
        scf.if %cond3A_389 {
          %add3A_400 = arith.constant 0 : i32
          %add3A_401 = arith.addi %mul3A_2, %add3A_400 : i32
          %jit3A_402 = arith.constant 200 : i32
          %div3A_403 = arith.divsi %add3A_401, %jit3A_402 : i32
          %sign3A_404 = arith.constant 0 : i32
          %sign3A_405 = arith.cmpi sgt, %add3A_401, %sign3A_404 : i32
          %sign3A_406 = arith.extui %sign3A_405 : i1 to i32
          %sign3A_407 = arith.constant 0 : i32
          %sign3A_408 = arith.cmpi slt, %add3A_401, %sign3A_407 : i32
          %sign3A_409 = arith.extui %sign3A_408 : i1 to i32
          %sign3A_410 = arith.subi %sign3A_406, %sign3A_409 : i32
          %sign3A_411 = arith.constant 0 : i32
          %sign3A_412 = arith.cmpi sgt, %jit3A_402, %sign3A_411 : i32
          %sign3A_413 = arith.extui %sign3A_412 : i1 to i32
          %sign3A_414 = arith.constant 0 : i32
          %sign3A_415 = arith.cmpi slt, %jit3A_402, %sign3A_414 : i32
          %sign3A_416 = arith.extui %sign3A_415 : i1 to i32
          %sign3A_417 = arith.subi %sign3A_413, %sign3A_416 : i32
          %ne3A_418 = arith.cmpi ne, %sign3A_410, %sign3A_417 : i32
          %rem3A_419 = arith.remsi %add3A_401, %jit3A_402 : i32
          %ne3A_420 = arith.constant 0 : i32
          %ne3A_421 = arith.cmpi ne, %rem3A_419, %ne3A_420 : i32
          %and3A_422 = arith.andi %ne3A_418, %ne3A_421 : i1
          %sub3A_423 = arith.constant 1 : i32
          %sub3A_424 = arith.subi %div3A_403, %sub3A_423 : i32
          %select_n3A_425 = arith.select %and3A_422, %sub3A_424, %div3A_403 : i32
          %dma_wait3A_426 = arith.constant 0 : i32
          %dma_wait3A_427 = arith.constant 0 : i32
          %dma_wait3A_428 = tpu.memref_slice %arg4[%select_n3A_425, %dma_wait3A_426, %dma_wait3A_427] : memref<16384x200x128xf32, #tpu.memory_space<hbm>> -> memref<1x200x128xf32, #tpu.memory_space<hbm>>
          %dma_wait3A_429 = tpu.memref_squeeze %dma_wait3A_428 : memref<1x200x128xf32, #tpu.memory_space<hbm>> -> memref<200x128xf32, #tpu.memory_space<hbm>>
          %dma_wait3A_430 = arith.constant 0 : i32
          %dma_wait3A_431 = arith.constant 0 : i32
          %dma_wait3A_432 = tpu.memref_slice %arg4[%select_n3A_425, %dma_wait3A_430, %dma_wait3A_431] : memref<16384x200x128xf32, #tpu.memory_space<hbm>> -> memref<1x200x128xf32, #tpu.memory_space<hbm>>
          %dma_wait3A_433 = tpu.memref_squeeze %dma_wait3A_432 : memref<1x200x128xf32, #tpu.memory_space<hbm>> -> memref<200x128xf32, #tpu.memory_space<hbm>>
          tpu.wait_dma2 semaphore(%arg21 : memref<!tpu.dma_semaphore, #tpu.memory_space<semaphore_mem>>) src(%arg9 : memref<200x128xf32, #tpu.memory_space<vmem>>) dst(%dma_wait3A_433 : memref<200x128xf32, #tpu.memory_space<hbm>>)
        } else {
        }
        %add3A_390 = arith.constant 2 : i32
        %add3A_391 = arith.addi %add3A_277, %add3A_390 : i32
        %mul3A_392 = arith.constant 200 : i32
        %mul3A_393 = arith.muli %add3A_391, %mul3A_392 : i32
        %add3A_394 = arith.addi %mul3A_2, %mul3A_393 : i32
        %dma_wait3A_395 = tpu.memref_slice %arg2[%add3A_394] : memref<3276800xi32, #tpu.memory_space<hbm>> -> memref<200xi32, #tpu.memory_space<hbm>>
        %dma_wait3A_396 = tpu.memref_slice %arg2[%add3A_394] : memref<3276800xi32, #tpu.memory_space<hbm>> -> memref<200xi32, #tpu.memory_space<hbm>>
        tpu.wait_dma2 semaphore(%arg13 : memref<!tpu.dma_semaphore, #tpu.memory_space<semaphore_mem>>) src(%dma_wait3A_396 : memref<200xi32, #tpu.memory_space<hbm>>) dst(%arg5 : memref<200xi32, #tpu.memory_space<vmem>>)
        %dma_start3A_397 = arith.constant 0 : i32
        %dma_start3A_398 = arith.constant 0 : i32
        %dma_start3A_399 = tpu.memref_slice %arg3[%dma_start3A_397, %dma_start3A_398] : memref<1000000x128xf32, #tpu.memory_space<hbm>> -> memref<1000000x128xf32, #tpu.memory_space<hbm>>
        tpu.enqueue_indirect_dma source(%dma_start3A_399 : memref<1000000x128xf32, #tpu.memory_space<hbm>>) target(%arg9 : memref<200x128xf32, #tpu.memory_space<vmem>>) offsets(%arg5 : memref<200xi32, #tpu.memory_space<vmem>>) semaphore(%arg17 : memref<!tpu.dma_semaphore, #tpu.memory_space<semaphore_mem>>)
      } else {
      }
      %mul3A_330 = arith.constant 4 : i32
      %mul3A_331 = arith.muli %scan3A_164, %mul3A_330 : i32
      %add3A_332 = arith.constant 3 : i32
      %add3A_333 = arith.addi %mul3A_331, %add3A_332 : i32
      %dma_wait3A_334 = arith.constant 0 : i32
      %dma_wait3A_335 = arith.constant 0 : i32
      %dma_wait3A_336 = tpu.memref_slice %arg3[%dma_wait3A_334, %dma_wait3A_335] : memref<1000000x128xf32, #tpu.memory_space<hbm>> -> memref<1000000x128xf32, #tpu.memory_space<hbm>>
      tpu.wait_indirect_dma semaphore(%arg20 : memref<!tpu.dma_semaphore, #tpu.memory_space<semaphore_mem>>) src(%dma_wait3A_336 : memref<1000000x128xf32, #tpu.memory_space<hbm>>) dst(%arg12 : memref<200x128xf32, #tpu.memory_space<vmem>>)
      %mul3A_337 = arith.constant 200 : i32
      %mul3A_338 = arith.muli %add3A_333, %mul3A_337 : i32
      %add3A_339 = arith.addi %mul3A_2, %mul3A_338 : i32
      %jit3A_340 = arith.constant 200 : i32
      %div3A_341 = arith.divsi %add3A_339, %jit3A_340 : i32
      %sign3A_342 = arith.constant 0 : i32
      %sign3A_343 = arith.cmpi sgt, %add3A_339, %sign3A_342 : i32
      %sign3A_344 = arith.extui %sign3A_343 : i1 to i32
      %sign3A_345 = arith.constant 0 : i32
      %sign3A_346 = arith.cmpi slt, %add3A_339, %sign3A_345 : i32
      %sign3A_347 = arith.extui %sign3A_346 : i1 to i32
      %sign3A_348 = arith.subi %sign3A_344, %sign3A_347 : i32
      %sign3A_349 = arith.constant 0 : i32
      %sign3A_350 = arith.cmpi sgt, %jit3A_340, %sign3A_349 : i32
      %sign3A_351 = arith.extui %sign3A_350 : i1 to i32
      %sign3A_352 = arith.constant 0 : i32
      %sign3A_353 = arith.cmpi slt, %jit3A_340, %sign3A_352 : i32
      %sign3A_354 = arith.extui %sign3A_353 : i1 to i32
      %sign3A_355 = arith.subi %sign3A_351, %sign3A_354 : i32
      %ne3A_356 = arith.cmpi ne, %sign3A_348, %sign3A_355 : i32
      %rem3A_357 = arith.remsi %add3A_339, %jit3A_340 : i32
      %ne3A_358 = arith.constant 0 : i32
      %ne3A_359 = arith.cmpi ne, %rem3A_357, %ne3A_358 : i32
      %and3A_360 = arith.andi %ne3A_356, %ne3A_359 : i1
      %sub3A_361 = arith.constant 1 : i32
      %sub3A_362 = arith.subi %div3A_341, %sub3A_361 : i32
      %select_n3A_363 = arith.select %and3A_360, %sub3A_362, %div3A_341 : i32
      %dma_start3A_364 = arith.constant 0 : i32
      %dma_start3A_365 = arith.constant 0 : i32
      %dma_start3A_366 = tpu.memref_slice %arg4[%select_n3A_363, %dma_start3A_364, %dma_start3A_365] : memref<16384x200x128xf32, #tpu.memory_space<hbm>> -> memref<1x200x128xf32, #tpu.memory_space<hbm>>
      %dma_start3A_367 = tpu.memref_squeeze %dma_start3A_366 : memref<1x200x128xf32, #tpu.memory_space<hbm>> -> memref<200x128xf32, #tpu.memory_space<hbm>>
      %dma_start3A_368 = arith.constant 0 : i32
      %dma_start3A_369 = arith.constant 0 : i32
      %dma_start3A_370 = tpu.memref_slice %arg4[%select_n3A_363, %dma_start3A_368, %dma_start3A_369] : memref<16384x200x128xf32, #tpu.memory_space<hbm>> -> memref<1x200x128xf32, #tpu.memory_space<hbm>>
      %dma_start3A_371 = tpu.memref_squeeze %dma_start3A_370 : memref<1x200x128xf32, #tpu.memory_space<hbm>> -> memref<200x128xf32, #tpu.memory_space<hbm>>
      tpu.enqueue_dma source(%arg12 : memref<200x128xf32, #tpu.memory_space<vmem>>) target(%dma_start3A_371 : memref<200x128xf32, #tpu.memory_space<hbm>>) target_semaphore(%arg24 : memref<!tpu.dma_semaphore, #tpu.memory_space<semaphore_mem>>)
      %add3A_372 = arith.constant 4 : i32
      %add3A_373 = arith.addi %add3A_333, %add3A_372 : i32
      %lt3A_374 = arith.constant 512 : i32
      %lt3A_375 = arith.cmpi slt, %add3A_373, %lt3A_374 : i32
      %convert_element_type3A_376 = arith.extui %lt3A_375 : i1 to i32
      %cond3A_377 = arith.constant 0 : i32
      %cond3A_378 = arith.cmpi ne, %convert_element_type3A_376, %cond3A_377 : i32
      scf.if %cond3A_378 {
        %add3A_386 = arith.constant 4 : i32
        %add3A_387 = arith.addi %add3A_333, %add3A_386 : i32
        %mul3A_388 = arith.constant 200 : i32
        %mul3A_389 = arith.muli %add3A_387, %mul3A_388 : i32
        %add3A_390 = arith.addi %mul3A_2, %mul3A_389 : i32
        %dma_start3A_391 = tpu.memref_slice %arg2[%add3A_390] : memref<3276800xi32, #tpu.memory_space<hbm>> -> memref<200xi32, #tpu.memory_space<hbm>>
        %dma_start3A_392 = tpu.memref_slice %arg2[%add3A_390] : memref<3276800xi32, #tpu.memory_space<hbm>> -> memref<200xi32, #tpu.memory_space<hbm>>
        tpu.enqueue_dma source(%dma_start3A_392 : memref<200xi32, #tpu.memory_space<hbm>>) target(%arg8 : memref<200xi32, #tpu.memory_space<vmem>>) target_semaphore(%arg16 : memref<!tpu.dma_semaphore, #tpu.memory_space<semaphore_mem>>)
      } else {
      }
      %add3A_379 = arith.constant 2 : i32
      %add3A_380 = arith.addi %add3A_333, %add3A_379 : i32
      %lt3A_381 = arith.constant 512 : i32
      %lt3A_382 = arith.cmpi slt, %add3A_380, %lt3A_381 : i32
      %convert_element_type3A_383 = arith.extui %lt3A_382 : i1 to i32
      %cond3A_384 = arith.constant 0 : i32
      %cond3A_385 = arith.cmpi ne, %convert_element_type3A_383, %cond3A_384 : i32
      scf.if %cond3A_385 {
        %ge3A = arith.constant 2 : i32
        %ge3A_386 = arith.cmpi sge, %add3A_333, %ge3A : i32
        %convert_element_type3A_387 = arith.extui %ge3A_386 : i1 to i32
        %cond3A_388 = arith.constant 0 : i32
        %cond3A_389 = arith.cmpi ne, %convert_element_type3A_387, %cond3A_388 : i32
        scf.if %cond3A_389 {
          %add3A_400 = arith.constant 0 : i32
          %add3A_401 = arith.addi %mul3A_2, %add3A_400 : i32
          %jit3A_402 = arith.constant 200 : i32
          %div3A_403 = arith.divsi %add3A_401, %jit3A_402 : i32
          %sign3A_404 = arith.constant 0 : i32
          %sign3A_405 = arith.cmpi sgt, %add3A_401, %sign3A_404 : i32
          %sign3A_406 = arith.extui %sign3A_405 : i1 to i32
          %sign3A_407 = arith.constant 0 : i32
          %sign3A_408 = arith.cmpi slt, %add3A_401, %sign3A_407 : i32
          %sign3A_409 = arith.extui %sign3A_408 : i1 to i32
          %sign3A_410 = arith.subi %sign3A_406, %sign3A_409 : i32
          %sign3A_411 = arith.constant 0 : i32
          %sign3A_412 = arith.cmpi sgt, %jit3A_402, %sign3A_411 : i32
          %sign3A_413 = arith.extui %sign3A_412 : i1 to i32
          %sign3A_414 = arith.constant 0 : i32
          %sign3A_415 = arith.cmpi slt, %jit3A_402, %sign3A_414 : i32
          %sign3A_416 = arith.extui %sign3A_415 : i1 to i32
          %sign3A_417 = arith.subi %sign3A_413, %sign3A_416 : i32
          %ne3A_418 = arith.cmpi ne, %sign3A_410, %sign3A_417 : i32
          %rem3A_419 = arith.remsi %add3A_401, %jit3A_402 : i32
          %ne3A_420 = arith.constant 0 : i32
          %ne3A_421 = arith.cmpi ne, %rem3A_419, %ne3A_420 : i32
          %and3A_422 = arith.andi %ne3A_418, %ne3A_421 : i1
          %sub3A_423 = arith.constant 1 : i32
          %sub3A_424 = arith.subi %div3A_403, %sub3A_423 : i32
          %select_n3A_425 = arith.select %and3A_422, %sub3A_424, %div3A_403 : i32
          %dma_wait3A_426 = arith.constant 0 : i32
          %dma_wait3A_427 = arith.constant 0 : i32
          %dma_wait3A_428 = tpu.memref_slice %arg4[%select_n3A_425, %dma_wait3A_426, %dma_wait3A_427] : memref<16384x200x128xf32, #tpu.memory_space<hbm>> -> memref<1x200x128xf32, #tpu.memory_space<hbm>>
          %dma_wait3A_429 = tpu.memref_squeeze %dma_wait3A_428 : memref<1x200x128xf32, #tpu.memory_space<hbm>> -> memref<200x128xf32, #tpu.memory_space<hbm>>
          %dma_wait3A_430 = arith.constant 0 : i32
          %dma_wait3A_431 = arith.constant 0 : i32
          %dma_wait3A_432 = tpu.memref_slice %arg4[%select_n3A_425, %dma_wait3A_430, %dma_wait3A_431] : memref<16384x200x128xf32, #tpu.memory_space<hbm>> -> memref<1x200x128xf32, #tpu.memory_space<hbm>>
          %dma_wait3A_433 = tpu.memref_squeeze %dma_wait3A_432 : memref<1x200x128xf32, #tpu.memory_space<hbm>> -> memref<200x128xf32, #tpu.memory_space<hbm>>
          tpu.wait_dma2 semaphore(%arg22 : memref<!tpu.dma_semaphore, #tpu.memory_space<semaphore_mem>>) src(%arg10 : memref<200x128xf32, #tpu.memory_space<vmem>>) dst(%dma_wait3A_433 : memref<200x128xf32, #tpu.memory_space<hbm>>)
        } else {
        }
        %add3A_390 = arith.constant 2 : i32
        %add3A_391 = arith.addi %add3A_333, %add3A_390 : i32
        %mul3A_392 = arith.constant 200 : i32
        %mul3A_393 = arith.muli %add3A_391, %mul3A_392 : i32
        %add3A_394 = arith.addi %mul3A_2, %mul3A_393 : i32
        %dma_wait3A_395 = tpu.memref_slice %arg2[%add3A_394] : memref<3276800xi32, #tpu.memory_space<hbm>> -> memref<200xi32, #tpu.memory_space<hbm>>
        %dma_wait3A_396 = tpu.memref_slice %arg2[%add3A_394] : memref<3276800xi32, #tpu.memory_space<hbm>> -> memref<200xi32, #tpu.memory_space<hbm>>
        tpu.wait_dma2 semaphore(%arg14 : memref<!tpu.dma_semaphore, #tpu.memory_space<semaphore_mem>>) src(%dma_wait3A_396 : memref<200xi32, #tpu.memory_space<hbm>>) dst(%arg6 : memref<200xi32, #tpu.memory_space<vmem>>)
        %dma_start3A_397 = arith.constant 0 : i32
        %dma_start3A_398 = arith.constant 0 : i32
        %dma_start3A_399 = tpu.memref_slice %arg3[%dma_start3A_397, %dma_start3A_398] : memref<1000000x128xf32, #tpu.memory_space<hbm>> -> memref<1000000x128xf32, #tpu.memory_space<hbm>>
        tpu.enqueue_indirect_dma source(%dma_start3A_399 : memref<1000000x128xf32, #tpu.memory_space<hbm>>) target(%arg10 : memref<200x128xf32, #tpu.memory_space<vmem>>) offsets(%arg6 : memref<200xi32, #tpu.memory_space<vmem>>) semaphore(%arg18 : memref<!tpu.dma_semaphore, #tpu.memory_space<semaphore_mem>>)
      } else {
      }
    }
    %scan3A_35 = arith.constant 128 : i32
    %add3A_36 = arith.constant 0 : i32
    %add3A_37 = arith.addi %mul3A_2, %add3A_36 : i32
    %jit3A = arith.constant 200 : i32
    %div3A = arith.divsi %add3A_37, %jit3A : i32
    %sign3A = arith.constant 0 : i32
    %sign3A_38 = arith.cmpi sgt, %add3A_37, %sign3A : i32
    %sign3A_39 = arith.extui %sign3A_38 : i1 to i32
    %sign3A_40 = arith.constant 0 : i32
    %sign3A_41 = arith.cmpi slt, %add3A_37, %sign3A_40 : i32
    %sign3A_42 = arith.extui %sign3A_41 : i1 to i32
    %sign3A_43 = arith.subi %sign3A_39, %sign3A_42 : i32
    %sign3A_44 = arith.constant 0 : i32
    %sign3A_45 = arith.cmpi sgt, %jit3A, %sign3A_44 : i32
    %sign3A_46 = arith.extui %sign3A_45 : i1 to i32
    %sign3A_47 = arith.constant 0 : i32
    %sign3A_48 = arith.cmpi slt, %jit3A, %sign3A_47 : i32
    %sign3A_49 = arith.extui %sign3A_48 : i1 to i32
    %sign3A_50 = arith.subi %sign3A_46, %sign3A_49 : i32
    %ne3A = arith.cmpi ne, %sign3A_43, %sign3A_50 : i32
    %rem3A = arith.remsi %add3A_37, %jit3A : i32
    %ne3A_51 = arith.constant 0 : i32
    %ne3A_52 = arith.cmpi ne, %rem3A, %ne3A_51 : i32
    %and3A = arith.andi %ne3A, %ne3A_52 : i1
    %sub3A = arith.constant 1 : i32
    %sub3A_53 = arith.subi %div3A, %sub3A : i32
    %select_n3A = arith.select %and3A, %sub3A_53, %div3A : i32
    %dma_wait3A_54 = arith.constant 0 : i32
    %dma_wait3A_55 = arith.constant 0 : i32
    %dma_wait3A_56 = tpu.memref_slice %arg4[%select_n3A, %dma_wait3A_54, %dma_wait3A_55] : memref<16384x200x128xf32, #tpu.memory_space<hbm>> -> memref<1x200x128xf32, #tpu.memory_space<hbm>>
    %dma_wait3A_57 = tpu.memref_squeeze %dma_wait3A_56 : memref<1x200x128xf32, #tpu.memory_space<hbm>> -> memref<200x128xf32, #tpu.memory_space<hbm>>
    %dma_wait3A_58 = arith.constant 0 : i32
    %dma_wait3A_59 = arith.constant 0 : i32
    %dma_wait3A_60 = tpu.memref_slice %arg4[%select_n3A, %dma_wait3A_58, %dma_wait3A_59] : memref<16384x200x128xf32, #tpu.memory_space<hbm>> -> memref<1x200x128xf32, #tpu.memory_space<hbm>>
    %dma_wait3A_61 = tpu.memref_squeeze %dma_wait3A_60 : memref<1x200x128xf32, #tpu.memory_space<hbm>> -> memref<200x128xf32, #tpu.memory_space<hbm>>
    tpu.wait_dma2 semaphore(%arg21 : memref<!tpu.dma_semaphore, #tpu.memory_space<semaphore_mem>>) src(%arg9 : memref<200x128xf32, #tpu.memory_space<vmem>>) dst(%dma_wait3A_61 : memref<200x128xf32, #tpu.memory_space<hbm>>)
    %add3A_62 = arith.constant 0 : i32
    %add3A_63 = arith.addi %mul3A_2, %add3A_62 : i32
    %jit3A_64 = arith.constant 200 : i32
    %div3A_65 = arith.divsi %add3A_63, %jit3A_64 : i32
    %sign3A_66 = arith.constant 0 : i32
    %sign3A_67 = arith.cmpi sgt, %add3A_63, %sign3A_66 : i32
    %sign3A_68 = arith.extui %sign3A_67 : i1 to i32
    %sign3A_69 = arith.constant 0 : i32
    %sign3A_70 = arith.cmpi slt, %add3A_63, %sign3A_69 : i32
    %sign3A_71 = arith.extui %sign3A_70 : i1 to i32
    %sign3A_72 = arith.subi %sign3A_68, %sign3A_71 : i32
    %sign3A_73 = arith.constant 0 : i32
    %sign3A_74 = arith.cmpi sgt, %jit3A_64, %sign3A_73 : i32
    %sign3A_75 = arith.extui %sign3A_74 : i1 to i32
    %sign3A_76 = arith.constant 0 : i32
    %sign3A_77 = arith.cmpi slt, %jit3A_64, %sign3A_76 : i32
    %sign3A_78 = arith.extui %sign3A_77 : i1 to i32
    %sign3A_79 = arith.subi %sign3A_75, %sign3A_78 : i32
    %ne3A_80 = arith.cmpi ne, %sign3A_72, %sign3A_79 : i32
    %rem3A_81 = arith.remsi %add3A_63, %jit3A_64 : i32
    %ne3A_82 = arith.constant 0 : i32
    %ne3A_83 = arith.cmpi ne, %rem3A_81, %ne3A_82 : i32
    %and3A_84 = arith.andi %ne3A_80, %ne3A_83 : i1
    %sub3A_85 = arith.constant 1 : i32
    %sub3A_86 = arith.subi %div3A_65, %sub3A_85 : i32
    %select_n3A_87 = arith.select %and3A_84, %sub3A_86, %div3A_65 : i32
    %dma_wait3A_88 = arith.constant 0 : i32
    %dma_wait3A_89 = arith.constant 0 : i32
    %dma_wait3A_90 = tpu.memref_slice %arg4[%select_n3A_87, %dma_wait3A_88, %dma_wait3A_89] : memref<16384x200x128xf32, #tpu.memory_space<hbm>> -> memref<1x200x128xf32, #tpu.memory_space<hbm>>
    %dma_wait3A_91 = tpu.memref_squeeze %dma_wait3A_90 : memref<1x200x128xf32, #tpu.memory_space<hbm>> -> memref<200x128xf32, #tpu.memory_space<hbm>>
    %dma_wait3A_92 = arith.constant 0 : i32
    %dma_wait3A_93 = arith.constant 0 : i32
    %dma_wait3A_94 = tpu.memref_slice %arg4[%select_n3A_87, %dma_wait3A_92, %dma_wait3A_93] : memref<16384x200x128xf32, #tpu.memory_space<hbm>> -> memref<1x200x128xf32, #tpu.memory_space<hbm>>
    %dma_wait3A_95 = tpu.memref_squeeze %dma_wait3A_94 : memref<1x200x128xf32, #tpu.memory_space<hbm>> -> memref<200x128xf32, #tpu.memory_space<hbm>>
    tpu.wait_dma2 semaphore(%arg22 : memref<!tpu.dma_semaphore, #tpu.memory_space<semaphore_mem>>) src(%arg10 : memref<200x128xf32, #tpu.memory_space<vmem>>) dst(%dma_wait3A_95 : memref<200x128xf32, #tpu.memory_space<hbm>>)
    %add3A_96 = arith.constant 0 : i32
    %add3A_97 = arith.addi %mul3A_2, %add3A_96 : i32
    %jit3A_98 = arith.constant 200 : i32
    %div3A_99 = arith.divsi %add3A_97, %jit3A_98 : i32
    %sign3A_100 = arith.constant 0 : i32
    %sign3A_101 = arith.cmpi sgt, %add3A_97, %sign3A_100 : i32
    %sign3A_102 = arith.extui %sign3A_101 : i1 to i32
    %sign3A_103 = arith.constant 0 : i32
    %sign3A_104 = arith.cmpi slt, %add3A_97, %sign3A_103 : i32
    %sign3A_105 = arith.extui %sign3A_104 : i1 to i32
    %sign3A_106 = arith.subi %sign3A_102, %sign3A_105 : i32
    %sign3A_107 = arith.constant 0 : i32
    %sign3A_108 = arith.cmpi sgt, %jit3A_98, %sign3A_107 : i32
    %sign3A_109 = arith.extui %sign3A_108 : i1 to i32
    %sign3A_110 = arith.constant 0 : i32
    %sign3A_111 = arith.cmpi slt, %jit3A_98, %sign3A_110 : i32
    %sign3A_112 = arith.extui %sign3A_111 : i1 to i32
    %sign3A_113 = arith.subi %sign3A_109, %sign3A_112 : i32
    %ne3A_114 = arith.cmpi ne, %sign3A_106, %sign3A_113 : i32
    %rem3A_115 = arith.remsi %add3A_97, %jit3A_98 : i32
    %ne3A_116 = arith.constant 0 : i32
    %ne3A_117 = arith.cmpi ne, %rem3A_115, %ne3A_116 : i32
    %and3A_118 = arith.andi %ne3A_114, %ne3A_117 : i1
    %sub3A_119 = arith.constant 1 : i32
    %sub3A_120 = arith.subi %div3A_99, %sub3A_119 : i32
    %select_n3A_121 = arith.select %and3A_118, %sub3A_120, %div3A_99 : i32
    %dma_wait3A_122 = arith.constant 0 : i32
    %dma_wait3A_123 = arith.constant 0 : i32
    %dma_wait3A_124 = tpu.memref_slice %arg4[%select_n3A_121, %dma_wait3A_122, %dma_wait3A_123] : memref<16384x200x128xf32, #tpu.memory_space<hbm>> -> memref<1x200x128xf32, #tpu.memory_space<hbm>>
    %dma_wait3A_125 = tpu.memref_squeeze %dma_wait3A_124 : memref<1x200x128xf32, #tpu.memory_space<hbm>> -> memref<200x128xf32, #tpu.memory_space<hbm>>
    %dma_wait3A_126 = arith.constant 0 : i32
    %dma_wait3A_127 = arith.constant 0 : i32
    %dma_wait3A_128 = tpu.memref_slice %arg4[%select_n3A_121, %dma_wait3A_126, %dma_wait3A_127] : memref<16384x200x128xf32, #tpu.memory_space<hbm>> -> memref<1x200x128xf32, #tpu.memory_space<hbm>>
    %dma_wait3A_129 = tpu.memref_squeeze %dma_wait3A_128 : memref<1x200x128xf32, #tpu.memory_space<hbm>> -> memref<200x128xf32, #tpu.memory_space<hbm>>
    tpu.wait_dma2 semaphore(%arg23 : memref<!tpu.dma_semaphore, #tpu.memory_space<semaphore_mem>>) src(%arg11 : memref<200x128xf32, #tpu.memory_space<vmem>>) dst(%dma_wait3A_129 : memref<200x128xf32, #tpu.memory_space<hbm>>)
    %add3A_130 = arith.constant 0 : i32
    %add3A_131 = arith.addi %mul3A_2, %add3A_130 : i32
    %jit3A_132 = arith.constant 200 : i32
    %div3A_133 = arith.divsi %add3A_131, %jit3A_132 : i32
    %sign3A_134 = arith.constant 0 : i32
    %sign3A_135 = arith.cmpi sgt, %add3A_131, %sign3A_134 : i32
    %sign3A_136 = arith.extui %sign3A_135 : i1 to i32
    %sign3A_137 = arith.constant 0 : i32
    %sign3A_138 = arith.cmpi slt, %add3A_131, %sign3A_137 : i32
    %sign3A_139 = arith.extui %sign3A_138 : i1 to i32
    %sign3A_140 = arith.subi %sign3A_136, %sign3A_139 : i32
    %sign3A_141 = arith.constant 0 : i32
    %sign3A_142 = arith.cmpi sgt, %jit3A_132, %sign3A_141 : i32
    %sign3A_143 = arith.extui %sign3A_142 : i1 to i32
    %sign3A_144 = arith.constant 0 : i32
    %sign3A_145 = arith.cmpi slt, %jit3A_132, %sign3A_144 : i32
    %sign3A_146 = arith.extui %sign3A_145 : i1 to i32
    %sign3A_147 = arith.subi %sign3A_143, %sign3A_146 : i32
    %ne3A_148 = arith.cmpi ne, %sign3A_140, %sign3A_147 : i32
    %rem3A_149 = arith.remsi %add3A_131, %jit3A_132 : i32
    %ne3A_150 = arith.constant 0 : i32
    %ne3A_151 = arith.cmpi ne, %rem3A_149, %ne3A_150 : i32
    %and3A_152 = arith.andi %ne3A_148, %ne3A_151 : i1
    %sub3A_153 = arith.constant 1 : i32
    %sub3A_154 = arith.subi %div3A_133, %sub3A_153 : i32
    %select_n3A_155 = arith.select %and3A_152, %sub3A_154, %div3A_133 : i32
    %dma_wait3A_156 = arith.constant 0 : i32
    %dma_wait3A_157 = arith.constant 0 : i32
    %dma_wait3A_158 = tpu.memref_slice %arg4[%select_n3A_155, %dma_wait3A_156, %dma_wait3A_157] : memref<16384x200x128xf32, #tpu.memory_space<hbm>> -> memref<1x200x128xf32, #tpu.memory_space<hbm>>
    %dma_wait3A_159 = tpu.memref_squeeze %dma_wait3A_158 : memref<1x200x128xf32, #tpu.memory_space<hbm>> -> memref<200x128xf32, #tpu.memory_space<hbm>>
    %dma_wait3A_160 = arith.constant 0 : i32
    %dma_wait3A_161 = arith.constant 0 : i32
    %dma_wait3A_162 = tpu.memref_slice %arg4[%select_n3A_155, %dma_wait3A_160, %dma_wait3A_161] : memref<16384x200x128xf32, #tpu.memory_space<hbm>> -> memref<1x200x128xf32, #tpu.memory_space<hbm>>
    %dma_wait3A_163 = tpu.memref_squeeze %dma_wait3A_162 : memref<1x200x128xf32, #tpu.memory_space<hbm>> -> memref<200x128xf32, #tpu.memory_space<hbm>>
    tpu.wait_dma2 semaphore(%arg24 : memref<!tpu.dma_semaphore, #tpu.memory_space<semaphore_mem>>) src(%arg12 : memref<200x128xf32, #tpu.memory_space<vmem>>) dst(%dma_wait3A_163 : memref<200x128xf32, #tpu.memory_space<hbm>>)
    return
  }
}

</mosaic_0001>

<sc_bundles>
// kernel: kernel.3.cloned.1.call-start
scs
__scs_entry_jumppad:
0x0: {  	(pc) =	sbr.rel $0x88, $3  }
0x1: {  	(tag) =	ssettag $0x0;
	lr =	simm.s32 $0x1  }
0x2: {  	[smem:$0x3F9F] =	sst lr;
	_ =	strace $0xD0000000  }
0x3: {  	_ = 	snop  }
0x4: {  	_ = 	snop  }
0x5: {  	_ = 	snop  }
0x6: {  	_ = 	snop  }
0x7: {  	_ = 	snop  }
__scs_overlays_trampoline_lowered:
0x8: {  	[smem:$0x3FAE] =	sst s0  }
0x9: {  	[smem:$0x3FAF] =	sst s1  }
0xa: {  	[smem:$0x3FB0] =	sst s2  }
0xb: {  	[smem:$0x3FB1] =	sst s3  }
0xc: {  	[smem:$0x3FB2] =	sst s4  }
0xd: {  	[smem:$0x3FB3] =	sst s5  }
0xe: {  	[smem:$0x3FB4] =	sst s6  }
0xf: {  	[smem:$0x3FB5] =	sst s7  }
0x10: {  	[smem:$0x3FB6] =	sst s8  }
0x11: {  	[smem:$0x3FB7] =	sst s9;
	s0 =	simm.s32 @!p0 $0x0  }
0x12: {  	s1 =	sld [smem:$0x3F9D];
	s0 =	simm.s32 @p0 $0x1  }
0x13: {  	[smem:$0x3FB8] =	sst s0;
	s0 =	simm.s32 @!p1 $0x0  }
0x14: {  	s2 =	sld [smem:$0x3F9C];
	s0 =	simm.s32 @p1 $0x1  }
0x15: {  	[smem:$0x3FB9] =	sst s0;
	s0 =	simm.s32 @!p2 $0x0  }
0x16: {  	s3 =	sld [smem:$0x3FDB];
	s0 =	simm.s32 @p2 $0x1  }
0x17: {  	s4 =	simm.s32 $0x1BF5;
	[smem:$0x3FBB] =	sst s0  }
0x18: {  	s0 =	sld [smem:$0x3F9E];
	_ =	swait.ge [sflag:s4], $0x0  }
0x19: {  	s7 =	sld [smem:$0x3F9F]  }
0x1a: {  	s8 =	sadd.s32 $0xFFFFE003, lr  }
0x1b: {  	s9 =	sadd.s32 $0xFFFFFEF7, lr;
	s5 =	simm.s32 $0xFFFFFFFF;
	p2 =	slt.u32 s8, $0xFFFFF086  }
0x1c: {  	p1 =	slt.u32 s9, $0xF7A;
	s5 =	simm.s32 @!p2 $0x0  }
0x1d: {  	s5 =	simm.s32 @p1 $0x1;
	p0 =	seq.s32 s7, s2  }
0x1e: {  	s7 =	smul.u32 @!p0 $0xF7A, s2;
	p2 =	seq.s32 @!p0 s5, $0x0  }
0x1f: {  	s9 =	smul.u32 $0xF7A, s1;
	s8 =	simm.s32 @!p0 $0x1BF5;
	p2 =	por !p2, p0  }
0x20: {  	[sflag:s8] =	ssyncset.s32 @!p0 $0xFFFFF086;
	s6 =	sadd.s32 @!p0 s3, s7;
	s7 =	simm.s32 @!p0 $0x108  }
0x21: {  	s3 =	sadd.s32 s3, s9;
	s6 =	sadd.s32 @!p0 $0x88, s6;
	s7 =	simm.s32 @p2 $0x1082  }
0x22: {  	[simem:s7], [sflag:s8] =	dma.local @!p0 [hbm:s6], $0xF7A  }
0x23: {  	s9 =	sor.u32 $0xD0000000, s2;
	s6 =	simm.s32 $0x108;
	_ =	swait.ge @!p0 [sflag:s8], $0x0  }
0x24: {  	s3 =	sadd.s32 $0x88, s3;
	s6 =	simm.s32 @!p1 $0x1082;
	[sflag:s4] =	ssyncset.s32 $0xFFFFF086  }
0x25: {  	[simem:s6], [sflag:s4] =	dma.local [hbm:s3], $0xF7A  }
0x26: {  	[smem:$0x3F9F] =	sst s1;
	(tag) =	ssettag s2;
	_ =	strace s9  }
0x27: {  	s1 =	sld [smem:$0x3FAF]  }
0x28: {  	s2 =	sld [smem:$0x3FB0]  }
0x29: {  	s4 =	sld [smem:$0x3FB2]  }
0x2a: {  	p0 =	seq.s32 s5, $0x0;
	s5 =	sld [smem:$0x3FB3]  }
0x2b: {  	s6 =	sld [smem:$0x3FB4]  }
0x2c: {  	s7 =	sld [smem:$0x3FB5]  }
0x2d: {  	s3 =	simm.s32 $0x108;
	s8 =	sld [smem:$0x3FB6]  }
0x2e: {  	s3 =	simm.s32 @!p0 $0x1082;
	s9 =	sld [smem:$0x3FB7]  }
0x2f: {  	lr =	sadd.s32 s0, s3;
	s0 =	sld [smem:$0x3FAE]  }
0x30: {  	s3 =	sld [smem:$0x3FB1]  }
0x31: {  	[smem:$0x3FBA] =	sst s10  }
0x32: {  	s10 =	sld [smem:$0x3FB8];
	_ =	sdelay $0x3  }
0x33: {  	p0 =	seq.s32 s10, $0x1;
	s10 =	sld [smem:$0x3FBA];
	_ =	sdelay $0x3  }
0x34: {  	[smem:$0x3FBA] =	sst s10  }
0x35: {  	s10 =	sld [smem:$0x3FB9];
	_ =	sdelay $0x3  }
0x36: {  	p1 =	seq.s32 s10, $0x1;
	s10 =	sld [smem:$0x3FBA];
	_ =	sdelay $0x3  }
0x37: {  	[smem:$0x3FBA] =	sst s10  }
0x38: {  	s10 =	sld [smem:$0x3FBB]  }
0x39: {  	_ = 	snop;
	(pc) =	sbr.ind lr, $3  }
0x3a: {  	_ = 	snop  }
0x3b: {  	_ = 	snop  }
0x3c: {  	p2 =	seq.s32 s10, $0x1;
	s10 =	sld [smem:$0x3FBA]  }
0x3d: {  	_ =	shalt  }
0x3e: {  	_ =	shalt  }
0x3f: {  	_ =	shalt  }
0x40: {  	_ =	shalt  }
0x41: {  	_ =	shalt  }
0x42: {  	_ =	shalt  }
0x43: {  	_ =	shalt  }
0x44: {  	_ =	shalt  }
0x45: {  	_ =	shalt  }
0x46: {  	_ =	shalt  }
0x47: {  	_ =	shalt  }
0x48: {  	_ =	shalt  }
0x49: {  	_ =	shalt  }
0x4a: {  	_ =	shalt  }
0x4b: {  	_ =	shalt  }
0x4c: {  	_ =	shalt  }
0x4d: {  	_ =	shalt  }
0x4e: {  	_ =	shalt  }
0x4f: {  	_ =	shalt  }
0x50: {  	_ =	shalt  }
0x51: {  	_ =	shalt  }
0x52: {  	_ =	shalt  }
0x53: {  	_ =	shalt  }
0x54: {  	_ =	shalt  }
0x55: {  	_ =	shalt  }
0x56: {  	_ =	shalt  }
0x57: {  	_ =	shalt  }
0x58: {  	_ =	shalt  }
0x59: {  	_ =	shalt  }
0x5a: {  	_ =	shalt  }
0x5b: {  	_ =	shalt  }
0x5c: {  	_ =	shalt  }
0x5d: {  	_ =	shalt  }
0x5e: {  	_ =	shalt  }
0x5f: {  	_ =	shalt  }
0x60: {  	_ =	shalt  }
0x61: {  	_ =	shalt  }
0x62: {  	_ =	shalt  }
0x63: {  	_ =	shalt  }
0x64: {  	_ =	shalt  }
0x65: {  	_ =	shalt  }
0x66: {  	_ =	shalt  }
0x67: {  	_ =	shalt  }
0x68: {  	_ =	shalt  }
0x69: {  	_ =	shalt  }
0x6a: {  	_ =	shalt  }
0x6b: {  	_ =	shalt  }
0x6c: {  	_ =	shalt  }
0x6d: {  	_ =	shalt  }
0x6e: {  	_ =	shalt  }
0x6f: {  	_ =	shalt  }
0x70: {  	_ =	shalt  }
0x71: {  	_ =	shalt  }
0x72: {  	_ =	shalt  }
0x73: {  	_ =	shalt  }
0x74: {  	_ =	shalt  }
0x75: {  	_ =	shalt  }
0x76: {  	_ =	shalt  }
0x77: {  	_ =	shalt  }
0x78: {  	_ =	shalt  }
0x79: {  	_ =	shalt  }
0x7a: {  	_ =	shalt  }
0x7b: {  	_ =	shalt  }
0x7c: {  	_ =	shalt  }
0x7d: {  	_ =	shalt  }
0x7e: {  	_ =	shalt  }
0x7f: {  	_ =	shalt  }
0x80: {  	_ =	shalt  }
0x81: {  	_ =	shalt  }
0x82: {  	_ =	shalt  }
0x83: {  	_ =	shalt  }
0x84: {  	_ =	shalt  }
0x85: {  	_ =	shalt  }
0x86: {  	_ =	shalt  }
0x87: {  	_ =	shalt  }
.Lfunc_end0:
.L_simem_size_0:
called_computation.1_lowered:
.L_overlay_start_0:
0x88: {  	s2 =	sld [smem:$0x3FD9]  }
0x89: {  	s3 =	sld [smem:$0x3FFE];
	_ =	sdelay $0x1  }
0x8a: {  	s1 =	srdreg.scid  }
0x8b: {  	s0 =	sand.u32 $0x1, s1  }
0x8c: {  	s16 =	sshll.u32 s0, $0xA;
	s2 =	sadd.s32 s3, s2  }
0x8d: {  	s2 =	sadd.s32 s2, s16  }
0x8e: {  	[smem:$0x3FC6] =	sst s2  }
0x8f: {  	_ = 	snop  }
0x90: {  	(tm) =	ssettm $0x1  }
0x91: {  	s17 =	sld [smem:$0x3FFB];
	_ =	sdelay $0x3  }
0x92: {  	_ =	strace s17  }
0x93: {  	s2 =	sld [smem:$0x3FFC];
	_ =	sdelay $0x3  }
0x94: {  	_ =	strace s2  }
0x95: {  	s2 =	sld [smem:$0x3FFD];
	_ =	sdelay $0x3  }
0x96: {  	_ =	strace s2  }
0x97: {  	_ =	strace $0x8FFFFFFF  }
0x98: {  	s18 =	sld [smem:$0x3FDB];
	_ =	sdelay $0x1  }
0x99: {  	s19 =	simm.s32 $_scs_section_size  }
0x9a: {  	s4 =	simm.s32 $_size__tile_overlayer_lowered;
	s5 =	simm.s32 $_tile_overlayer_lowered  }
0x9b: {  	s22 =	simm.s32 $0x1BFF;
	s21 =	sshll.u32 s5, $0x1;
	s2 =	sadd.s32 s19, s18  }
0x9c: {  	s6 =	simm.s32 $0x0;
	s20 =	sshll.u32 s4, $0x1;
	s4 =	sadd.s32 s21, s2  }
0x9d: {  	[timem:s6], [sflag:s22] =	dma.local [hbm:s4], s20  }
0x9e: {  	_ =	swait.ge [sflag:s22], s20  }
0x9f: {  	s3 =	ssub.s32 $0x0, s20;
	[sflag:s22] =	ssyncset.done $0x0  }
0xa0: {  	[sflag:s22] =	ssyncadd.s32 s3;
	_ =	sdelay $0x1  }
0xa1: {  	s23 =	simm.s32 $0x1B8B  }
0xa2: {  	_ =	swait.ge [sflag:s23], $0x1  }
0xa3: {  	[sflag:s23] =	ssyncset.done $0x0  }
0xa4: {  	s25 =	simm.s32 $0x1B8E;
	s24 =	sld [smem:$0x3FFE];
	[sflag:s23] =	ssyncadd.s32 $0xFFFFFFFF  }
0xa5: {  	s26 =	simm.s32 $execute0_lowered;
	[smem:$0x3FD2] =	sst s25  }
0xa6: {  	s4 =	sshll.u32 s26, $0x1;
	_ =	strace $0x80000046;
	[dreg:$0x1] =	wrdreg $0xFFFFFFFF  }
0xa7: {  	s28 =	simm.s32 $_size_execute0_lowered;
	s2 =	sadd.s32 s2, s4;
	[dreg:$0x0] =	wrdreg $0x0  }
0xa8: {  	s4 =	sshll.u32 s28, $0x1;
	[dreg:$0x2] =	wrdreg s2  }
0xa9: {  	[dreg:$0x3] =	wrdreg s4  }
0xaa: {  	[dreg:$0x4] =	wrdreg $0xC0  }
0xab: {  	_ =	task [dreg:s6], $0x5FFFF  }
0xac: {  	[dreg:$0x1] =	wrdreg $0xFFFFFFFF  }
0xad: {  	[dreg:$0x0] =	wrdreg $0x60  }
0xae: {  	[dreg:$0x2] =	wrdreg s24  }
0xaf: {  	[dreg:$0x3] =	wrdreg $0x9  }
0xb0: {  	_ =	task.clear_ibuf [dreg:s6], $0x4FFFF;
	_ =	strace $0x90000046  }
0xb1: {  	s29 =	simm.s32 $0x9;
	_ =	strace $0x80000048  }
0xb2: {  	_ =	swait.ge [sflag:s29], $0x1  }
0xb3: {  	[sflag:s29] =	ssyncadd.s32 $0xFFFFFFFF  }
0xb4: {  	_ =	strace $0x90000048  }
0xb5: {  	_ =	sfence  }
0xb6: {  	s30 =	sld [smem:$0x0];
	_ =	sdelay $0x2  }
0xb7: {  	s31 =	sshll.u32 s1, $0xD;
	s1 =	sshrl.u32 s1, $0x2  }
0xb8: {  	s3 =	sand.u32 $0x4000, s31;
	s1 =	sadd.s32 s1, s30  }
0xb9: {  	s0 =	sor.u32 s3, s0;
	s1 =	sshll.u32 s1, $0x11  }
0xba: {  	s0 =	sor.u32 s1, s0  }
0xbb: {  	s0 =	sadd.s32 $0x8F2B, s0  }
0xbc: {  	[sflag:s0] =	ssyncadd.remote.s32 $0x1  }
0xbd: {  	_ =	sfence.sel $0xFFFF  }
0xbe: {  	[dreg:$0x0] =	wrdreg $0xFFFFFFFF;
	(pc) =	sbr.abs _section_cstart, $3  }
0xbf: {  	[dreg:$0x1] =	wrdreg $0xFFFFFFFF  }
0xc0: {  	_ =	task.clear_ibuf [dreg:s6], $0x2FFFF;
	_ =	strace $0x9FFFFFFF  }
0xc1: {  	(tm) =	ssettm $0x7FFFFFFF  }
tec
execute0_lowered:
.L_overlay_start_1:
0x0: {  	(tag) =	ssettag $0x1  }
0x1: {  	s0 =	srdreg.scid;
	s3 =	stileid.u32  }
0x2: {  	s4 =	rddreg [dreg:$0x0];
	s2 =	simm.s32 $0x0;
	s28 =	simm.s32 $0xCC00  }
0x3: {  	s29 =	simm.s32 $0x6;
	s30 =	simm.s32 $0x4;
	s31 =	simm.s32 $0x13000  }
0x4: {  	s0 =	sand.u32 $0x1, s0;
	s1 =	sshll.u32 s3, $0x1;
	[smem:$0x7FF] =	sst s2  }
0x5: {  	s5 =	smul.u32 $0x32000, s3;
	s6 =	sadd.s32 $0x800, s4;
	s3 =	sadd.s32 $0x64800, s4  }
0x6: {  	s1 =	sor.u32 s0, s1;
	s7 =	smul.u32 $0x19000, s0;
	s0 =	ssub.s32 $0x2, s0  }
0x7: {  	s4 =	sadd.s32 $0xFA6C00, s4;
	s1 =	smul.u32 $0x19000, s1;
	s8 =	sshrl.u32 s0, $0x1  }
0x8: {  	_ =	strace $0x80000047;
	s5 =	sadd.s32 s7, s5;
	s0 =	ssub.s32 s0, s8  }
0x9: {  	s1 =	sshrl.u32 s1, $0x3;
	s16 =	sor.u32 $0x258, s5;
	s18 =	sor.u32 $0x190, s5  }
0xa: {  	s0 =	smax.u32 s0, $0x1;
	s19 =	sor.u32 $0x578, s5;
	s20 =	sor.u32 $0xC8, s5  }
0xb: {  	s21 =	sor.u32 $0x4B0, s5;
	s22 =	smulhi.u32 $0x147AE15, s5;
	s23 =	sor.u32 $0x3E8, s5  }
0xc: {  	s5 =	sor.u32 $0x320, s5;
	s15 =	sadd.s32 s6, s1;
	s1 =	smulhi.u32 $0x147AE15, s16  }
0xd: {  	s7 =	smulhi.u32 $0x147AE15, s18;
	[dreg:$0x6] =	wrdreg s0;
	s0 =	sshrl.u32 s19, $0x3  }
0xe: {  	s24 =	sshrl.u32 s5, $0x3;
	s18 =	simm.s32 $0x200;
	s19 =	simm.s32 $0x300  }
0xf: {  	s17 =	sadd.s32 $0x19, s15;
	s9 =	sadd.s32 $0x32, s15;
	[dreg:$0x2] =	wrdreg s15  }
0x10: {  	s8 =	sadd.s32 $0x4B, s15;
	s15 =	sadd.s32 s24, s6;
	[dreg:$0x3] =	wrdreg s17  }
0x11: {  	s24 =	simm.s32 $0x6800;
	[dreg:$0x4] =	wrdreg s9;
	s1 =	smul.u32 $0xC80, s1  }
0x12: {  	[dreg:$0x5] =	wrdreg s8;
	s7 =	smul.u32 $0xC80, s7;
	s9 =	sadd.s32 s0, s6  }
0x13: {  	s8 =	smulhi.u32 $0x147AE15, s20;
	s0 =	sshrl.u32 s21, $0x3;
	s17 =	simm.s32 $0x100  }
0x14: {  	s21 =	simm.s32 $0xC8;
	s11 =	sadd.s32 s0, s6;
	s0 =	sshrl.u32 s23, $0x3  }
0x15: {  	s23 =	simm.s32 $0x2;
	s1 =	sadd.s32 s1, s4;
	s8 =	smul.u32 $0xC80, s8  }
0x16: {  	s7 =	sadd.s32 s7, s4;
	s13 =	sadd.s32 s0, s6;
	s0 =	simm.s32 $0x8  }
.Ltmp0:
0x17: {  	s6 =	simm.s32 $0xA;
	[dreg:$0x7] =	wrdreg s1;
	(pc) =	sbr.rel .LBB2_1-.Ltmp0, $4  }
0x18: {  	s1 =	smul.u32 $0xC80, s22;
	[dreg:$0x8] =	wrdreg s7;
	s22 =	simm.s32 $0x400  }
0x19: {  	s7 =	simm.s32 $0xB;
	s25 =	sadd.s32 s8, s4;
	s8 =	simm.s32 $0x0  }
0x1a: {  	[dreg:$0x9] =	wrdreg s25;
	s26 =	sadd.s32 s1, s4;
	s25 =	simm.s32 $0x5  }
0x1b: {  	s1 =	simm.s32 $0x7;
	[dreg:$0xa] =	wrdreg s26;
	s26 =	simm.s32 $0x3  }
.LBB2_7:
0x1c: {  	s4 =	simm.s32 $0x9  }
0x1d: {  	_ =	swait.ge [sflag:s4], $0x6400  }
0x1e: {  	[sflag:s4] =	ssyncset.done $0x0  }
0x1f: {  	[sflag:s4] =	ssyncadd.s32 $0xFFFF9C00  }
0x20: {  	_ =	swait.ge [sflag:s6], $0x6400  }
0x21: {  	[sflag:s6] =	ssyncset.done $0x0  }
0x22: {  	[sflag:s6] =	ssyncadd.s32 $0xFFFF9C00  }
0x23: {  	_ =	swait.ge [sflag:s7], $0x6400  }
0x24: {  	[sflag:s7] =	ssyncset.done $0x0  }
0x25: {  	s5 =	simm.s32 $0xC;
	[sflag:s7] =	ssyncadd.s32 $0xFFFF9C00  }
0x26: {  	_ =	swait.ge [sflag:s5], $0x6400  }
0x27: {  	s8 =	rddreg [dreg:$0xb]  }
0x28: {  	s20 =	rddreg [dreg:$0x6];
	s8 =	sadd.s32 $0x1, s8  }
0x29: {  	p0 =	sne.s32 s8, s20  }
.Ltmp1:
0x2a: {  	_ = 	snop;
	(pc) =	sbr.rel @!p0 .LBB2_8-.Ltmp1, $3  }
0x2b: {  	_ =	sdelay $0x1  }
0x2c: {  	[sflag:s5] =	ssyncset.done $0x0  }
0x2d: {  	[sflag:s5] =	ssyncadd.s32 $0xFFFF9C00  }
.LBB2_1:
0x2e: {  	[dreg:$0xb] =	wrdreg s8  }
0x2f: {  	s4 =	rddreg [dreg:$0x2]  }
0x30: {  	[tilespmem:s2], [sflag:$0x1] =	stream.linear.gather [hbm4b:s4+s2], $0xC8, $0x38;
	[tilespmem:$0x19400] =	vst v63  }
0x31: {  	s12 =	rddreg [dreg:$0x3]  }
0x32: {  	[tilespmem:s17], [sflag:$0x2] =	stream.linear.gather [hbm4b:s12+s2], $0xC8, $0x38;
	[tilespmem:$0x19400] =	vst v63  }
0x33: {  	s14 =	rddreg [dreg:$0x4]  }
0x34: {  	[tilespmem:s18], [sflag:$0x3] =	stream.linear.gather [hbm4b:s14+s2], $0xC8, $0x38;
	[tilespmem:$0x19400] =	vst v63  }
0x35: {  	s16 =	rddreg [dreg:$0x5];
	s20 =	simm.s32 $0x1  }
0x36: {  	[tilespmem:s19], [sflag:$0x4] =	stream.linear.gather [hbm4b:s16+s2], $0xC8, $0x38;
	[tilespmem:$0x19400] =	vst v63  }
0x37: {  	_ =	swait.ge [sflag:s20], $0xC8  }
0x38: {  	[sflag:s20] =	ssyncset.done $0x0  }
0x39: {  	[sflag:s20] =	ssyncadd.s32 $0xFFFFFF38  }
0x3a: {  	[tilespmem:s22], [sflag:$0x5] =	stream.indirect.gather [hbm4b:s3+s21], $0x80, s2, s21, $0xb8;
	[tilespmem:$0x19400] =	vst v63  }
0x3b: {  	_ =	swait.ge [sflag:s23], $0xC8  }
0x3c: {  	s16 =	rddreg [dreg:$0xa]  }
0x3d: {  	s14 =	rddreg [dreg:$0x9]  }
0x3e: {  	[sflag:s23] =	ssyncset.done $0x0;
	s12 =	rddreg [dreg:$0x8]  }
0x3f: {  	s20 =	simm.s32 $0x0;
	s10 =	rddreg [dreg:$0x7];
	[sflag:s23] =	ssyncadd.s32 $0xFFFFFF38  }
0x40: {  	[tilespmem:s24], [sflag:$0x6] =	stream.indirect.gather [hbm4b:s3+s21], $0x80, s17, s21, $0xb8;
	[tilespmem:$0x19400] =	vst v63  }
.LBB2_2:
0x41: {  	p0 =	seq.s32 s20, $0x319C  }
0x42: {  	p1 =	seq.s32 @!p0 s20, $0x0  }
0x43: {  	_ =	swait.ge [sflag:s25], $0x6400;
	p1 =	por p0, !p1  }
.Ltmp2:
0x44: {  	[sflag:s25] =	ssyncset.done $0x0;
	(pc) =	sbr.rel @!p1 .LBB2_3-.Ltmp2, $4  }
0x45: {  	[sflag:s25] =	ssyncadd.s32 $0xFFFF9C00  }
0x46: {  	[hbm4b:s16+s2] =	stream.linear.scatter [tilespmem:s22], [sflag:$0x9], $0x6400, $0x38;
	[tilespmem:$0x19400] =	vst v63  }
0x47: {  	s8 =	sadd.s32 @!p0 s20, s15;
	s5 =	simm.s32 @!p0 $0x0  }
0x48: {  	[tilespmem:s5], [sflag:$0x1] =	stream.linear.gather @!p0 [hbm4b:s8+s5], $0xC8, $0x38;
	[tilespmem:$0x19400] =	vst v63  }
.Ltmp3:
0x49: {  	(pc) =	sbr.rel .LBB2_5-.Ltmp3, $4  }
0x4a: {  	_ = 	snop  }
0x4b: {  	_ =	swait.ge [sflag:s7], $0x6400  }
0x4c: {  	[sflag:s7] =	ssyncset.done $0x0  }
0x4d: {  	p1 =	por $0x0, $0x0;
	[sflag:s7] =	ssyncadd.s32 $0xFFFF9C00  }
.LBB2_3:
0x4e: {  	p1 =	por @!p0 $0x1, $0x1  }
.LBB2_5:
0x4f: {  	_ =	swait.ge [sflag:s26], $0xC8  }
0x50: {  	[sflag:s26] =	ssyncset.done $0x0  }
0x51: {  	[sflag:s26] =	ssyncadd.s32 $0xFFFFFF38  }
0x52: {  	[tilespmem:s28], [sflag:$0x7] =	stream.indirect.gather [hbm4b:s3+s21], $0x80, s18, s21, $0xb8;
	[tilespmem:$0x19400] =	vst v63  }
0x53: {  	_ =	swait.ge [sflag:s29], $0x6400  }
0x54: {  	[sflag:s29] =	ssyncset.done $0x0  }
0x55: {  	[sflag:s29] =	ssyncadd.s32 $0xFFFF9C00  }
0x56: {  	[hbm4b:s14+s2] =	stream.linear.scatter [tilespmem:s24], [sflag:$0xA], $0x6400, $0x38;
	[tilespmem:$0x19400] =	vst v63  }
0x57: {  	s8 =	sadd.s32 @!p0 s20, s13;
	s4 =	simm.s32 @!p0 $0x100  }
0x58: {  	[tilespmem:s4], [sflag:$0x2] =	stream.linear.gather @!p0 [hbm4b:s8+s5], $0xC8, $0x38;
	[tilespmem:$0x19400] =	vst v63  }
0x59: {  	s4 =	simm.s32 @!p1 $0xC  }
0x5a: {  	_ =	swait.ge @!p1 [sflag:s4], $0x6400  }
0x5b: {  	[sflag:s4] =	ssyncset.done @!p1 $0x0  }
0x5c: {  	[sflag:s4] =	ssyncadd.s32 @!p1 $0xFFFF9C00  }
0x5d: {  	_ =	swait.ge [sflag:s30], $0xC8  }
0x5e: {  	[sflag:s30] =	ssyncset.done $0x0  }
0x5f: {  	[sflag:s30] =	ssyncadd.s32 $0xFFFFFF38  }
0x60: {  	[tilespmem:s31], [sflag:$0x8] =	stream.indirect.gather [hbm4b:s3+s21], $0x80, s19, s21, $0xb8;
	[tilespmem:$0x19400] =	vst v63  }
0x61: {  	_ =	swait.ge [sflag:s1], $0x6400  }
0x62: {  	[sflag:s1] =	ssyncset.done $0x0  }
0x63: {  	[sflag:s1] =	ssyncadd.s32 $0xFFFF9C00  }
0x64: {  	[hbm4b:s12+s2] =	stream.linear.scatter [tilespmem:s28], [sflag:$0xB], $0x6400, $0x38;
	[tilespmem:$0x19400] =	vst v63  }
0x65: {  	s8 =	simm.s32 @!p0 $0x200;
	s4 =	sadd.s32 @!p0 s20, s11  }
0x66: {  	[tilespmem:s8], [sflag:$0x3] =	stream.linear.gather @!p0 [hbm4b:s4+s5], $0xC8, $0x38;
	[tilespmem:$0x19400] =	vst v63  }
0x67: {  	s4 =	simm.s32 @!p0 $0x9  }
0x68: {  	_ =	swait.ge @!p0 [sflag:s4], $0x6400  }
0x69: {  	[sflag:s4] =	ssyncset.done @!p0 $0x0  }
0x6a: {  	[sflag:s4] =	ssyncadd.s32 @!p0 $0xFFFF9C00;
	s4 =	simm.s32 @!p0 $0x1  }
0x6b: {  	_ =	swait.ge @!p0 [sflag:s4], $0xC8  }
0x6c: {  	[sflag:s4] =	ssyncset.done @!p0 $0x0  }
0x6d: {  	s8 =	simm.s32 @!p0 $0x400;
	[sflag:s4] =	ssyncadd.s32 @!p0 $0xFFFFFF38;
	s4 =	simm.s32 @!p0 $0xC8  }
0x6e: {  	[tilespmem:s8], [sflag:$0x5] =	stream.indirect.gather @!p0 [hbm4b:s3+s4], $0x80, s5, s4, $0xb8;
	[tilespmem:$0x19400] =	vst v63  }
.Ltmp4:
0x6f: {  	_ = 	snop;
	(pc) =	sbr.rel @p0 .LBB2_7-.Ltmp4, $4  }
0x70: {  	_ =	swait.ge [sflag:s0], $0x6400  }
0x71: {  	[sflag:s0] =	ssyncset.done $0x0  }
0x72: {  	[sflag:s0] =	ssyncadd.s32 $0xFFFF9C00  }
0x73: {  	[hbm4b:s10+s2] =	stream.linear.scatter [tilespmem:s31], [sflag:$0xC], $0x6400, $0x38;
	[tilespmem:$0x19400] =	vst v63  }
0x74: {  	s4 =	sadd.s32 s20, s9  }
0x75: {  	[tilespmem:s19], [sflag:$0x4] =	stream.linear.gather [hbm4b:s4+s2], $0xC8, $0x38;
	[tilespmem:$0x19400] =	vst v63  }
0x76: {  	_ =	swait.ge [sflag:s6], $0x6400  }
0x77: {  	[sflag:s6] =	ssyncset.done $0x0  }
.Ltmp5:
0x78: {  	[sflag:s6] =	ssyncadd.s32 $0xFFFF9C00;
	(pc) =	sbr.rel .LBB2_2-.Ltmp5, $4  }
0x79: {  	s20 =	sadd.s32 $0x64, s20;
	_ =	swait.ge [sflag:s23], $0xC8  }
0x7a: {  	s10 =	sadd.s32 $0x3200, s10;
	s12 =	sadd.s32 $0x3200, s12;
	[sflag:s23] =	ssyncset.done $0x0  }
0x7b: {  	s14 =	sadd.s32 $0x3200, s14;
	s16 =	sadd.s32 $0x3200, s16;
	[sflag:s23] =	ssyncadd.s32 $0xFFFFFF38  }
0x7c: {  	[tilespmem:s24], [sflag:$0x6] =	stream.indirect.gather [hbm4b:s3+s21], $0x80, s17, s21, $0xb8;
	[tilespmem:$0x19400] =	vst v63  }
.LBB2_8:
0x7d: {  	_ =	sfence.sel $0x180000  }
0x7e: {  	[bflag:$0x0] =	sbarrier.arrive $0xFFFF  }
0x7f: {  	_ =	strace $0x90000047  }
0x80: {  	s0 =	stileid.u32;
	[bflag:$0x2] =	sbarrier.arrive $0xFFFF  }
0x81: {  	p0 =	sne.s32 s0, $0x0;
	s0 =	rddreg [dreg:$0x1]  }
0x82: {  	s0 =	sadd.s32 @!p0 $0x100000, s0  }
0x83: {  	[sflag:s0] =	ssyncadd.tile.s32 @!p0 $0x1;
	_ =	shalt  }
.Lfunc_end2:
_tile_overlayer_lowered:
.L_overlay_start_2:
0x84: {  	(tag) =	ssettag $0x2  }
0x85: {  	s0 =	rddreg [dreg:$0x0];
	s2 =	stileid.u32  }
0x86: {  	s1 =	rddreg [dreg:$0x1];
	p0 =	sne.s32 s2, $0x0  }
0x87: {  	s3 =	rddreg [dreg:$0x2];
	[bflag:$0x3] =	sbarrier.arrive $0xFFFF;
	s2 =	simm.s32 @!p0 $0x1C0D  }
0x88: {  	[timem:s3], [sflag:s2] =	dma.local @!p0 [hbm:s0], s1  }
0x89: {  	s0 =	simm.s32 @!p0 $0xD  }
0x8a: {  	_ =	swait.ge @!p0 [sflag:s0], s1  }
0x8b: {  	s1 =	ssub.s32 @!p0 $0x0, s1;
	[sflag:s0] =	ssyncset.done @!p0 $0x0  }
0x8c: {  	[sflag:s0] =	ssyncadd.s32 @!p0 s1  }
0x8d: {  	[bflag:$0x3] =	sbarrier.arrive $0xFFFF  }
0x8e: {  	_ =	shalt  }

// kernel: sparse-core-data-format-call.cloned.1.call-start
scs
called_computation_lowered:
.L_overlay_start_0:
0x0: {  	s2 =	sld [smem:$0x3FD9]  }
0x1: {  	s3 =	sld [smem:$0x3FFE];
	_ =	sdelay $0x1  }
0x2: {  	s1 =	srdreg.scid  }
0x3: {  	s0 =	sand.u32 $0x1, s1  }
0x4: {  	s18 =	sshll.u32 s0, $0xA;
	s2 =	sadd.s32 s3, s2  }
0x5: {  	s2 =	sadd.s32 s2, s18  }
0x6: {  	[smem:$0x3FC6] =	sst s2  }
0x7: {  	_ = 	snop  }
0x8: {  	s2 =	sld [smem:$0x3FD0];
	(tm) =	ssettm $0x1  }
0x9: {  	s19 =	sld [smem:$0x3FFB];
	_ =	sdelay $0x3  }
0xa: {  	_ =	strace s19  }
0xb: {  	s3 =	sld [smem:$0x3FFC];
	_ =	sdelay $0x3  }
0xc: {  	_ =	strace s3  }
0xd: {  	s3 =	sld [smem:$0x3FFD];
	_ =	sdelay $0x3  }
0xe: {  	_ =	strace s3  }
0xf: {  	_ =	strace $0x8FFFFFFF  }
0x10: {  	s20 =	sld [smem:$0x3FDB];
	_ =	sdelay $0x1  }
0x11: {  	s4 =	simm.s32 $_scs_section_size  }
0x12: {  	s5 =	simm.s32 $_size__tile_overlayer_lowered;
	s6 =	simm.s32 $_tile_overlayer_lowered  }
0x13: {  	s23 =	simm.s32 $0x1BFF;
	s22 =	sshll.u32 s6, $0x1;
	s3 =	sadd.s32 s4, s20  }
0x14: {  	s7 =	simm.s32 $0x0;
	s21 =	sshll.u32 s5, $0x1;
	s5 =	sadd.s32 s22, s3  }
0x15: {  	[timem:s7], [sflag:s23] =	dma.local [hbm:s5], s21  }
0x16: {  	_ =	swait.ge [sflag:s23], s21  }
0x17: {  	s4 =	ssub.s32 $0x0, s21;
	[sflag:s23] =	ssyncset.done $0x0  }
0x18: {  	[sflag:s23] =	ssyncadd.s32 s4;
	_ =	sdelay $0x1  }
0x19: {  	s24 =	simm.s32 $0x1B8B  }
0x1a: {  	_ =	swait.ge [sflag:s24], $0x1  }
0x1b: {  	[sflag:s24] =	ssyncset.done $0x0  }
0x1c: {  	s26 =	simm.s32 $0x1B8E;
	s25 =	sld [smem:$0x3FFE];
	[sflag:s24] =	ssyncadd.s32 $0xFFFFFFFF  }
0x1d: {  	s27 =	simm.s32 $execute0_lowered;
	[smem:$0x3FD2] =	sst s26  }
0x1e: {  	s5 =	sshll.u32 s27, $0x1;
	_ =	strace $0x80000049;
	[dreg:$0x1] =	wrdreg $0xFFFFFFFF  }
0x1f: {  	s28 =	simm.s32 $_size_execute0_lowered;
	s3 =	sadd.s32 s3, s5;
	[dreg:$0x0] =	wrdreg $0x0  }
0x20: {  	s5 =	sshll.u32 s28, $0x1;
	[dreg:$0x2] =	wrdreg s3  }
0x21: {  	[dreg:$0x3] =	wrdreg s5  }
0x22: {  	[dreg:$0x4] =	wrdreg $0xC0  }
0x23: {  	_ =	task [dreg:s7], $0x5FFFF  }
0x24: {  	[dreg:$0x1] =	wrdreg $0xFFFFFFFF  }
0x25: {  	[dreg:$0x0] =	wrdreg $0x60  }
0x26: {  	[dreg:$0x2] =	wrdreg s25  }
0x27: {  	[dreg:$0x3] =	wrdreg s2  }
0x28: {  	[dreg:$0x4] =	wrdreg $0x9  }
0x29: {  	_ =	task.clear_ibuf [dreg:s7], $0x5FFFF;
	_ =	strace $0x90000049  }
0x2a: {  	s29 =	simm.s32 $0x9;
	_ =	strace $0x8000004B  }
0x2b: {  	_ =	swait.ge [sflag:s29], $0x1  }
0x2c: {  	[sflag:s29] =	ssyncadd.s32 $0xFFFFFFFF  }
0x2d: {  	_ =	strace $0x9000004B  }
0x2e: {  	_ =	sfence  }
0x2f: {  	s30 =	sld [smem:$0x0];
	_ =	sdelay $0x2  }
0x30: {  	s31 =	sshll.u32 s1, $0xD;
	s1 =	sshrl.u32 s1, $0x2  }
0x31: {  	s3 =	sand.u32 $0x4000, s31;
	s1 =	sadd.s32 s1, s30  }
0x32: {  	s0 =	sor.u32 s3, s0;
	s1 =	sshll.u32 s1, $0x11  }
0x33: {  	s0 =	sor.u32 s1, s0  }
0x34: {  	s0 =	sadd.s32 $0x8F2B, s0  }
0x35: {  	[sflag:s0] =	ssyncadd.remote.s32 $0x1  }
0x36: {  	_ =	sfence.sel $0xFFFF  }
0x37: {  	[dreg:$0x0] =	wrdreg $0xFFFFFFFF;
	(pc) =	sbr.abs _section_cstart, $3  }
0x38: {  	[dreg:$0x1] =	wrdreg $0xFFFFFFFF  }
0x39: {  	_ =	task.clear_ibuf [dreg:s7], $0x2FFFF;
	_ =	strace $0x9FFFFFFF  }
0x3a: {  	(tm) =	ssettm $0x7FFFFFFF  }
0x3b: {  	_ =	shalt  }
tec
execute0_lowered:
.L_overlay_start_1:
0x0: {  	(tag) =	ssettag $0x1  }
0x1: {  	s0 =	srdreg.scid  }
0x2: {  	s1 =	sshll.u32 s0, $0x4  }
0x3: {  	s0 =	stileid.u32;
	s1 =	sand.u32 $0x10, s1  }
0x4: {  	s1 =	sor.u32 s0, s1  }
0x5: {  	s6 =	rddreg [dreg:$0x0];
	s4 =	simm.s32 $0x1;
	s2 =	sshll.u32 s1, $0x7  }
0x6: {  	s7 =	simm.s32 $0x2;
	s12 =	simm.s32 $0x0;
	s1 =	ssub.s32 $0x4000, s2  }
0x7: {  	s8 =	simm.s32 $0x20000;
	s13 =	simm.s32 $0x0;
	s3 =	sand.u32 $0xF80, s1  }
0x8: {  	s9 =	simm.s32 $0x0;
	s5 =	sshrl.u32 s1, $0xC;
	p0 =	sne.s32 s3, $0x0  }
.Ltmp0:
0x9: {  	s1 =	rddreg [dreg:$0x2];
	s4 =	simm.s32 @!p0 $0x0;
	(pc) =	sbr.rel .LBB1_1-.Ltmp0, $4  }
0xa: {  	s11 =	simm.s32 $0x0;
	s3 =	rddreg [dreg:$0x1];
	s5 =	sadd.s32 s4, s5  }
0xb: {  	_ =	strace $0x8000004A;
	s4 =	simm.s32 $0x1;
	s5 =	smul.u32 $0xC8, s5  }
0xc: {  	s6 =	sadd.s32 $0xFA6C00, s6;
	s10 =	smov.u32 s2;
	[sflag:s4] =	ssyncpa.u1 $0x0  }
0xd: {  	p0 =	por $0x0, $0x0;
	[sflag:s7] =	ssyncpa.u1 $0x0;
	s7 =	sor.u32 $0x1, s5  }
.LBB1_4:
0xe: {  	s16 =	sshll.u32 s13, $0x3;
	s17 =	sand.u32 $0x78, s13  }
0xf: {  	s30 =	sand.u32 $0x1F800, s13;
	s12 =	sshll.u32 s12, $0x11;
	s16 =	sand.u32 $0x3C00, s16  }
0x10: {  	[tilespmem:s15+$0x810 ss:$0x81] =	vst.msk $0xffff, v2;
	s31 =	sand.u32 $0x7, s13;
	s16 =	sor.u32 s17, s16;
	s17 =	sadd.s32 s3, s30  }
0x11: {  	[tilespmem:s15+$0x1020 ss:$0x81] =	vst.msk $0xffff, v0;
	s13 =	sshll.u32 s31, $0x12;
	s12 =	sadd.s32 s12, s17;
	s16 =	sshrl.u32 s16, $0x3  }
0x12: {  	[tilespmem:s15+$0x0 ss:$0x81] =	vst.msk $0xffff, v1;
	s13 =	sor.u32 $0x400, s13;
	s12 =	sadd.s32 s16, s12  }
0x13: {  	[hbm4b:s12+s13] =	stream.strided.scatter [tilespmem:s14], [sflag:$0x2], $0x2000, s8, s13, $0x20;
	[tilespmem:$0x8080] =	vst v63  }
.LBB1_5:
0x14: {  	s14 =	sadd.s32 $0x1, s9  }
0x15: {  	s12 =	sadd.s32 $0x1000, s10;
	s16 =	smov.u32 s10;
	p2 =	sgt.s32 s14, $0xC7  }
0x16: {  	s16 =	smov.u32 @p2 s12  }
0x17: {  	s14 =	simm.s32 @p2 $0x0;
	p2 =	sgt.s32 s16, $0x3FFF  }
0x18: {  	s16 =	smov.u32 @p2 s2;
	p2 =	sne.s32 s11, s7  }
.Ltmp1:
0x19: {  	p1 =	slt.u32 s11, $0x2;
	(pc) =	sbr.rel @!p2 .LBB1_6-.Ltmp1, $4  }
0x1a: {  	s15 =	simm.s32 @!p1 $0x2  }
0x1b: {  	s13 =	smov.u32 s10;
	p0 =	por !p0, !p0;
	_ =	swait.ge @!p1 [sflag:s15], $0x2000  }
0x1c: {  	s12 =	smov.u32 s9;
	[sflag:s15] =	ssyncset.done @!p1 $0x0;
	s9 =	smov.u32 s14  }
0x1d: {  	s11 =	sadd.s32 $0x1, s11;
	[sflag:s15] =	ssyncadd.s32 @!p1 $0xFFFFE000;
	s10 =	smov.u32 s16  }
.LBB1_1:
0x1e: {  	p1 =	sge.u32 s11, s5  }
0x1f: {  	s14 =	sand.u32 @!p1 $0x1FFFFFF, s9  }
0x20: {  	s15 =	smulhi.u32 @!p1 $0x147AE15, s14;
	_ =	sdelay $0x1  }
0x21: {  	s15 =	smul.u32 @!p1 $0xC8, s15  }
0x22: {  	s16 =	sxor.u32 @!p1 $0xFFFFFFFF, s11;
	s17 =	smul.u32 @!p1 $0xC80, s10  }
0x23: {  	s31 =	sadd.s32 $0xFFFFFFFF, s11;
	s16 =	sshll.u32 @!p1 s16, $0xD;
	s14 =	ssub.s32 @!p1 s14, s15  }
0x24: {  	s15 =	sand.u32 @!p1 $0x2000, s16;
	s16 =	sadd.s32 @!p1 s6, s17;
	s14 =	sshll.u32 @!p1 s14, $0x4  }
0x25: {  	s17 =	simm.s32 @!p1 $0x6400;
	s14 =	sadd.s32 @!p1 s14, s16;
	s16 =	simm.s32 @!p1 $0x40  }
0x26: {  	[tilespmem:s15], [sflag:$0x1] =	stream.strided.gather @!p1 [hbm4b:s14+s16], $0x2000, s17, s16, $0x38;
	[tilespmem:$0x8080] =	vst v63  }
0x27: {  	p1 =	sge.u32 s31, s5  }
.Ltmp2:
0x28: {  	_ = 	snop;
	(pc) =	sbr.rel @p1 .LBB1_5-.Ltmp2, $1  }
0x29: {  	_ =	sdelay $0x3  }
0x2a: {  	s14 =	simm.s32 $0x1  }
0x2b: {  	_ =	swait.ge [sflag:s4], $0x2000;
	s14 =	simm.s32 @!p0 $0x0  }
0x2c: {  	[sflag:s4] =	ssyncset.done $0x0;
	s15 =	sshll.u32 s14, $0xD  }
0x2d: {  	[sflag:s4] =	ssyncadd.s32 $0xFFFFE000;
	s18 =	sor.u32 $0x20, s15  }
0x2e: {  	s14 =	smul.u32 $0x8100, s14;
	v3 =	vld [tilespmem:s18+$0x10]  }
0x2f: {  	s30 =	sand.u32 $0x1, s11;
	v2 =	vld [tilespmem:s18+$0xFFFFFFF0]  }
0x30: {  	s15 =	smul.u32 $0x8100, s30;
	s14 =	sshrl.u32 s14, $0x2;
	v0 =	vld [tilespmem:s18+$0x0]  }
0x31: {  	v1 =	vld [tilespmem:s18+$0xFFFFFFE0];
	s16 =	sor.u32 $0x4000, s14  }
0x32: {  	s31 =	sshrl.u32 s15, $0x2;
	s15 =	sadd.s32 $0x0, s16  }
0x33: {  	s17 =	simm.s32 $0x4;
	s18 =	sadd.s32 $0x40, s18;
	s14 =	sor.u32 $0x4000, s31;
	[tilespmem:s15+$0x1830 ss:$0x81] =	vst.msk $0xffff, v3  }
.LBB1_3:
0x34: {  	v3 =	vld [tilespmem:s18+$0x10];
	p1 =	sne.s32 s17, $0x1FC;
	[tilespmem:s15+$0x810 ss:$0x81] =	vst.msk $0xffff, v2;
	s19 =	smov.u32 s17;
	s17 =	sadd.s32 $0x4, s17  }
.Ltmp3:
0x35: {  	v2 =	vld [tilespmem:s18+$0xFFFFFFF0];
	[tilespmem:s15+$0x1020 ss:$0x81] =	vst.msk $0xffff, v0;
	(pc) =	sbr.rel @p1 .LBB1_3-.Ltmp3, $4  }
0x36: {  	v0 =	vld [tilespmem:s18+$0x0];
	[tilespmem:s15+$0x0 ss:$0x81] =	vst.msk $0xffff, v1  }
0x37: {  	s15 =	sshra.s32 s19, $0x2;
	v1 =	vld [tilespmem:s18+$0xFFFFFFE0]  }
0x38: {  	s15 =	sadd.s32 s15, s16  }
0x39: {  	s18 =	sadd.s32 $0x40, s18;
	[tilespmem:s15+$0x1830 ss:$0x81] =	vst.msk $0xffff, v3  }
.Ltmp4:
0x3a: {  	_ = 	snop;
	(pc) =	sbr.rel .LBB1_4-.Ltmp4, $1  }
0x3b: {  	_ =	sdelay $0x3  }
.LBB1_6:
0x3c: {  	_ =	sfence.sel $0x180000  }
0x3d: {  	s2 =	simm.s32 $0x1;
	[bflag:$0x0] =	sbarrier.arrive $0xFFFF  }
0x3e: {  	s31 =	simm.s32 $0x2;
	[sflag:s2] =	ssyncpa.u1 $0x1  }
0x3f: {  	[sflag:s31] =	ssyncpa.u1 $0x1  }
0x40: {  	p0 =	sne.s32 s0, $0x0;
	_ =	strace $0x9000004A  }
0x41: {  	s0 =	sadd.s32 @!p0 $0x100000, s1;
	[bflag:$0x2] =	sbarrier.arrive $0xFFFF  }
0x42: {  	[sflag:s0] =	ssyncadd.tile.s32 @!p0 $0x1;
	_ =	shalt  }
.Lfunc_end1:
_tile_overlayer_lowered:
.L_overlay_start_2:
0x43: {  	(tag) =	ssettag $0x2  }
0x44: {  	s0 =	rddreg [dreg:$0x0];
	s2 =	stileid.u32  }
0x45: {  	s1 =	rddreg [dreg:$0x1];
	p0 =	sne.s32 s2, $0x0  }
0x46: {  	s3 =	rddreg [dreg:$0x2];
	[bflag:$0x3] =	sbarrier.arrive $0xFFFF;
	s2 =	simm.s32 @!p0 $0x1C01  }
0x47: {  	[timem:s3], [sflag:s2] =	dma.local @!p0 [hbm:s0], s1  }
0x48: {  	s0 =	simm.s32 @!p0 $0x1  }
0x49: {  	_ =	swait.ge @!p0 [sflag:s0], s1  }
0x4a: {  	s1 =	ssub.s32 @!p0 $0x0, s1;
	[sflag:s0] =	ssyncset.done @!p0 $0x0  }
0x4b: {  	[sflag:s0] =	ssyncadd.s32 @!p0 s1  }
0x4c: {  	[bflag:$0x3] =	sbarrier.arrive $0xFFFF  }
0x4d: {  	_ =	shalt  }

</sc_bundles>
